<compile_context>
chip_gen: v7x
topology: tpu7x:2x2x1
jax: 0.10.2.dev20260603
libtpu: 0.0.44.dev20260713+nightly
codegen_flags: <defaults>
</compile_context>

<pallas_src>
import functools

import jax
import jax.numpy as jnp
from jax import lax
from jax.experimental import pallas as pl
from jax.experimental.pallas import tpu as pltpu
from jax.experimental.pallas import tpu_sc as plsc

N_EMB = 1000
ROWS = 4096 * 20
NC, NS, L = 2, 16, 16
ROWS_PER_T = ROWS // (NC * NS)
Z = 640_000
ZT = 64_000
FS = 1
FT = 30
SC_FLOATS = ROWS // NC * N_EMB
FL_PER_T = FS * Z + FT * ZT
K = 128
NK = ROWS_PER_T // K


def _one_hot_sc(idx_hbm, zeros_hbm):
    mesh = plsc.VectorSubcoreMesh(
        core_axis_name="c", subcore_axis_name="s", num_cores=NC, num_subcores=NS
    )

    @functools.partial(
        pl.kernel,
        out_type=jax.ShapeDtypeStruct((ROWS * N_EMB,), jnp.float32),
        mesh=mesh,
        scratch_types=[
            pltpu.VMEM_SHARED((Z,), jnp.float32),
            pltpu.VMEM((ZT,), jnp.float32),
            pltpu.VMEM((ROWS_PER_T,), jnp.int32),
            pltpu.VMEM((NK, K), jnp.int32),
            pltpu.VMEM((K,), jnp.float32),
            pltpu.SemaphoreType.DMA,
            pltpu.SemaphoreType.DMA,
        ],
        compiler_params=pltpu.CompilerParams(use_tc_tiling_on_sc=True),
    )
    def body(idx_ref, zeros_ref, out_ref, zblk, ztile, idx_v, pos_v, ones_b, sem_z, sem_s):
        cid = lax.axis_index("c")
        sid = lax.axis_index("s")
        tile_row0 = (cid * NS + sid) * ROWS_PER_T

        zero16 = jnp.zeros((L,), jnp.float32)

        def zfill(t, carry):
            ztile[pl.ds(t * L, L)] = zero16
            return carry

        lax.fori_loop(0, ZT // L, zfill, 0)

        @pl.when(sid == 0)
        def _():
            pltpu.sync_copy(zeros_ref, zblk)

        plsc.subcore_barrier()

        sc_base = cid * SC_FLOATS
        t_base = sc_base + sid * FL_PER_T
        for k in range(FS):
            dst = out_ref.at[pl.ds(t_base + k * Z, Z)]
            pltpu.async_copy(zblk, dst, sem_z)
        for k in range(FT):
            dst = out_ref.at[pl.ds(t_base + FS * Z + k * ZT, ZT)]
            pltpu.async_copy(ztile, dst, sem_z)

        pltpu.sync_copy(idx_ref.at[pl.ds(tile_row0, ROWS_PER_T)], idx_v)
        lane = lax.iota(jnp.int32, L)
        ones_v = jnp.full((L,), 1.0, jnp.float32)
        for q in range(K // L):
            ones_b[pl.ds(q * L, L)] = ones_v

        def fill_pos(n, carry):
            for q in range(K // L):
                g = n * K + q * L
                jl = g // 256
                il = g - jl * 256
                it = sid * 2 + il // 128
                sterm = (
                    (cid * 10 + jl) * (N_EMB * 4096)
                    + it * 1024
                    + (il % 128)
                )
                k16 = idx_v[pl.ds(g, L)]
                pos_v[n, pl.ds(q * L, L)] = (
                    sterm + (k16 >> 3) * 32768 + (k16 & 7) * 128 + lane
                )
            return carry

        lax.fori_loop(0, NK, fill_pos, 0)

        for k in range(FS):
            pltpu.make_async_copy(zblk, out_ref.at[pl.ds(0, Z)], sem_z).wait()
        for k in range(FT):
            pltpu.make_async_copy(ztile, out_ref.at[pl.ds(0, ZT)], sem_z).wait()
        plsc.subcore_barrier()

        for j in range(NK):
            pltpu.async_copy(ones_b, out_ref.at[pos_v.at[j]], sem_s)
        for j in range(NK):
            pltpu.make_async_copy(ones_b, out_ref.at[pos_v.at[0]], sem_s).wait()

    return body(idx_hbm, zeros_hbm)


@jax.jit
def kernel(inputs):
    idx_t = inputs.astype(jnp.int32).T
    idx_perm = jnp.transpose(
        idx_t.reshape(NC, 10, NS, 256), (0, 2, 1, 3)
    ).reshape(-1)
    zeros = jnp.zeros((Z,), jnp.float32)
    flat = _one_hot_sc(idx_perm, zeros)
    out5 = flat.reshape(20, N_EMB // 8, 4096 // 128, 8, 128)
    out3 = jnp.transpose(out5, (0, 1, 3, 2, 4)).reshape(20, N_EMB, 4096)
    return jnp.transpose(out3, (2, 0, 1))

# --- scband reference (transcript-rebuilt; emitter-appended) ---
"""Pipeline reference for scband-one-hot-layer-78262894068046 (READ-ONLY COPY).

The authoritative reference and input builder live on the scoring server;
editing this copy changes nothing except your own understanding.
"""

import jax, jax.numpy as jnp
import numpy as np

N_EMBEDDINGS = 1000

def setup_inputs(seed: int = 0) -> dict:
    key = jax.random.key(seed)
    inputs = jax.random.randint(key, (4096, 20), 0, N_EMBEDDINGS, dtype=jnp.int64)
    return {"inputs": inputs}

def reference(inputs):
    # Faithful translation of tf.one_hot(inputs, n_embeddings):
    # produces float32 one-hot with on_value=1.0, off_value=0.0 on a new trailing axis.
    return jax.nn.one_hot(inputs, N_EMBEDDINGS, dtype=jnp.float32)

if __name__ == "__main__":
    import jax
    _d = setup_inputs()
    print(jax.jit(kernel)(*tuple(_d.values())))

</pallas_src>

<mosaic_0001>
#map = affine_map<(d0, d1) -> (0)>
module attributes {stable_mosaic.version = 14 : i64} {
  func.func @body(%arg0: i32, %arg1: i32, %arg2: memref<81920xi32, #tpu.memory_space<hbm>>, %arg3: memref<640000xf32, #tpu.memory_space<hbm>>, %arg4: memref<81920000xf32, #tpu.memory_space<hbm>>, %arg5: memref<640000xf32, #tpu.memory_space<vmem_shared>>, %arg6: memref<64000xf32, #tpu.memory_space<vmem>>, %arg7: memref<2560xi32, #tpu.memory_space<vmem>>, %arg8: memref<20x128xi32, #tpu.memory_space<vmem>>, %arg9: memref<128xf32, #tpu.memory_space<vmem>>, %arg10: memref<!tpu.dma_semaphore, #tpu.memory_space<semaphore_mem>>, %arg11: memref<!tpu.dma_semaphore, #tpu.memory_space<semaphore_mem>>) attributes {dimension_semantics = [#tpu.dimension_semantics<core_parallel>, #tpu.dimension_semantics<subcore_parallel>], iteration_bounds = array<i64: 2, 16>, scalar_prefetch = 0 : i64, scratch_operands = 7 : i64, tpu.core_type = #tpu.core_type<sc_vector_subcore>, window_params = [{transform_indices = #map}, {transform_indices = #map}, {transform_indices = #map}]} {
    %mul3A = arith.constant 16 : i32
    %mul3A_0 = arith.muli %arg0, %mul3A : i32
    %add3A = arith.addi %mul3A_0, %arg1 : i32
    %mul3A_1 = arith.constant 2560 : i32
    %mul3A_2 = arith.muli %add3A, %mul3A_1 : i32
    %broadcast_in_dim3A = arith.constant 0.000000e+00 : f32
    %broadcast_in_dim3A_3 = vector.broadcast %broadcast_in_dim3A : f32 to vector<16xf32>
    %scan3A = arith.constant 0 : i32
    %scan3A_4 = arith.constant 0 : i32
    %scan3A_5 = arith.constant 4000 : i32
    %scan3A_6 = arith.addi %scan3A_4, %scan3A_5 : i32
    %scan3A_7 = arith.constant 1 : i32
    scf.for %scan3A_599 = %scan3A_4 to %scan3A_6 step %scan3A_7  : i32 {
      %mul3A_600 = arith.constant 16 : i32
      %mul3A_601 = arith.muli %scan3A_599, %mul3A_600 : i32
      %swap3A_602 = arith.index_cast %mul3A_601 : i32 to index
      %swap3A_603 = tpu.vector_load %arg6[%swap3A_602] {strides = array<i32>} : memref<64000xf32, #tpu.memory_space<vmem>>, vector<16xf32>,
      %swap3A_604 = vector.shape_cast %swap3A_603 : vector<16xf32> to vector<16xf32>
      %swap3A_605 = vector.shape_cast %broadcast_in_dim3A_3 : vector<16xf32> to vector<16xf32>
      tpu.vector_store %arg6[%swap3A_602], %swap3A_605 {strides = array<i32>} : memref<64000xf32, #tpu.memory_space<vmem>>, vector<16xf32>,
    }
    %scan3A_8 = arith.constant 4000 : i32
    %eq3A = arith.constant 0 : i32
    %eq3A_9 = arith.cmpi eq, %arg1, %eq3A : i32
    %convert_element_type3A = arith.extui %eq3A_9 : i1 to i32
    %cond3A = arith.constant 0 : i32
    %cond3A_10 = arith.cmpi ne, %convert_element_type3A, %cond3A : i32
    scf.if %cond3A_10 {
      "tpu.region"() ({
        %run_scoped3A = tpu.sem_alloc : memref<!tpu.dma_semaphore, #tpu.memory_space<semaphore_mem>>
        tpu.enqueue_dma source(%arg3 : memref<640000xf32, #tpu.memory_space<hbm>>) target(%arg5 : memref<640000xf32, #tpu.memory_space<vmem_shared>>) target_semaphore(%run_scoped3A : memref<!tpu.dma_semaphore, #tpu.memory_space<semaphore_mem>>)
        tpu.wait_dma2 semaphore(%run_scoped3A : memref<!tpu.dma_semaphore, #tpu.memory_space<semaphore_mem>>) src(%arg3 : memref<640000xf32, #tpu.memory_space<hbm>>) dst(%arg5 : memref<640000xf32, #tpu.memory_space<vmem_shared>>)
        tpu.yield
      }) : () -> ()
    } else {
    }
    %barrier3A = arith.constant 0 : index
    tpu.barrier barrier_id(%barrier3A)
    %mul3A_11 = arith.constant 40960000 : i32
    %mul3A_12 = arith.muli %arg0, %mul3A_11 : i32
    %mul3A_13 = arith.constant 2560000 : i32
    %mul3A_14 = arith.muli %arg1, %mul3A_13 : i32
    %add3A_15 = arith.addi %mul3A_12, %mul3A_14 : i32
    %add3A_16 = arith.constant 0 : i32
    %add3A_17 = arith.addi %add3A_15, %add3A_16 : i32
    %dma_start3A = tpu.memref_slice %arg4[%add3A_17] : memref<81920000xf32, #tpu.memory_space<hbm>> -> memref<640000xf32, #tpu.memory_space<hbm>>
    tpu.enqueue_dma source(%arg5 : memref<640000xf32, #tpu.memory_space<vmem_shared>>) target(%dma_start3A : memref<640000xf32, #tpu.memory_space<hbm>>) target_semaphore(%arg10 : memref<!tpu.dma_semaphore, #tpu.memory_space<semaphore_mem>>)
    %add3A_18 = arith.constant 640000 : i32
    %add3A_19 = arith.addi %add3A_15, %add3A_18 : i32
    %add3A_20 = arith.constant 0 : i32
    %add3A_21 = arith.addi %add3A_19, %add3A_20 : i32
    %dma_start3A_22 = tpu.memref_slice %arg4[%add3A_21] : memref<81920000xf32, #tpu.memory_space<hbm>> -> memref<64000xf32, #tpu.memory_space<hbm>>
    %dma_start3A_23 = tpu.memref_slice %arg4[%add3A_21] : memref<81920000xf32, #tpu.memory_space<hbm>> -> memref<64000xf32, #tpu.memory_space<hbm>>
    tpu.enqueue_dma source(%arg6 : memref<64000xf32, #tpu.memory_space<vmem>>) target(%dma_start3A_23 : memref<64000xf32, #tpu.memory_space<hbm>>) target_semaphore(%arg10 : memref<!tpu.dma_semaphore, #tpu.memory_space<semaphore_mem>>)
    %add3A_24 = arith.constant 640000 : i32
    %add3A_25 = arith.addi %add3A_15, %add3A_24 : i32
    %add3A_26 = arith.constant 64000 : i32
    %add3A_27 = arith.addi %add3A_25, %add3A_26 : i32
    %dma_start3A_28 = tpu.memref_slice %arg4[%add3A_27] : memref<81920000xf32, #tpu.memory_space<hbm>> -> memref<64000xf32, #tpu.memory_space<hbm>>
    %dma_start3A_29 = tpu.memref_slice %arg4[%add3A_27] : memref<81920000xf32, #tpu.memory_space<hbm>> -> memref<64000xf32, #tpu.memory_space<hbm>>
    tpu.enqueue_dma source(%arg6 : memref<64000xf32, #tpu.memory_space<vmem>>) target(%dma_start3A_29 : memref<64000xf32, #tpu.memory_space<hbm>>) target_semaphore(%arg10 : memref<!tpu.dma_semaphore, #tpu.memory_space<semaphore_mem>>)
    %add3A_30 = arith.constant 640000 : i32
    %add3A_31 = arith.addi %add3A_15, %add3A_30 : i32
    %add3A_32 = arith.constant 128000 : i32
    %add3A_33 = arith.addi %add3A_31, %add3A_32 : i32
    %dma_start3A_34 = tpu.memref_slice %arg4[%add3A_33] : memref<81920000xf32, #tpu.memory_space<hbm>> -> memref<64000xf32, #tpu.memory_space<hbm>>
    %dma_start3A_35 = tpu.memref_slice %arg4[%add3A_33] : memref<81920000xf32, #tpu.memory_space<hbm>> -> memref<64000xf32, #tpu.memory_space<hbm>>
    tpu.enqueue_dma source(%arg6 : memref<64000xf32, #tpu.memory_space<vmem>>) target(%dma_start3A_35 : memref<64000xf32, #tpu.memory_space<hbm>>) target_semaphore(%arg10 : memref<!tpu.dma_semaphore, #tpu.memory_space<semaphore_mem>>)
    %add3A_36 = arith.constant 640000 : i32
    %add3A_37 = arith.addi %add3A_15, %add3A_36 : i32
    %add3A_38 = arith.constant 192000 : i32
    %add3A_39 = arith.addi %add3A_37, %add3A_38 : i32
    %dma_start3A_40 = tpu.memref_slice %arg4[%add3A_39] : memref<81920000xf32, #tpu.memory_space<hbm>> -> memref<64000xf32, #tpu.memory_space<hbm>>
    %dma_start3A_41 = tpu.memref_slice %arg4[%add3A_39] : memref<81920000xf32, #tpu.memory_space<hbm>> -> memref<64000xf32, #tpu.memory_space<hbm>>
    tpu.enqueue_dma source(%arg6 : memref<64000xf32, #tpu.memory_space<vmem>>) target(%dma_start3A_41 : memref<64000xf32, #tpu.memory_space<hbm>>) target_semaphore(%arg10 : memref<!tpu.dma_semaphore, #tpu.memory_space<semaphore_mem>>)
    %add3A_42 = arith.constant 640000 : i32
    %add3A_43 = arith.addi %add3A_15, %add3A_42 : i32
    %add3A_44 = arith.constant 256000 : i32
    %add3A_45 = arith.addi %add3A_43, %add3A_44 : i32
    %dma_start3A_46 = tpu.memref_slice %arg4[%add3A_45] : memref<81920000xf32, #tpu.memory_space<hbm>> -> memref<64000xf32, #tpu.memory_space<hbm>>
    %dma_start3A_47 = tpu.memref_slice %arg4[%add3A_45] : memref<81920000xf32, #tpu.memory_space<hbm>> -> memref<64000xf32, #tpu.memory_space<hbm>>
    tpu.enqueue_dma source(%arg6 : memref<64000xf32, #tpu.memory_space<vmem>>) target(%dma_start3A_47 : memref<64000xf32, #tpu.memory_space<hbm>>) target_semaphore(%arg10 : memref<!tpu.dma_semaphore, #tpu.memory_space<semaphore_mem>>)
    %add3A_48 = arith.constant 640000 : i32
    %add3A_49 = arith.addi %add3A_15, %add3A_48 : i32
    %add3A_50 = arith.constant 320000 : i32
    %add3A_51 = arith.addi %add3A_49, %add3A_50 : i32
    %dma_start3A_52 = tpu.memref_slice %arg4[%add3A_51] : memref<81920000xf32, #tpu.memory_space<hbm>> -> memref<64000xf32, #tpu.memory_space<hbm>>
    %dma_start3A_53 = tpu.memref_slice %arg4[%add3A_51] : memref<81920000xf32, #tpu.memory_space<hbm>> -> memref<64000xf32, #tpu.memory_space<hbm>>
    tpu.enqueue_dma source(%arg6 : memref<64000xf32, #tpu.memory_space<vmem>>) target(%dma_start3A_53 : memref<64000xf32, #tpu.memory_space<hbm>>) target_semaphore(%arg10 : memref<!tpu.dma_semaphore, #tpu.memory_space<semaphore_mem>>)
    %add3A_54 = arith.constant 640000 : i32
    %add3A_55 = arith.addi %add3A_15, %add3A_54 : i32
    %add3A_56 = arith.constant 384000 : i32
    %add3A_57 = arith.addi %add3A_55, %add3A_56 : i32
    %dma_start3A_58 = tpu.memref_slice %arg4[%add3A_57] : memref<81920000xf32, #tpu.memory_space<hbm>> -> memref<64000xf32, #tpu.memory_space<hbm>>
    %dma_start3A_59 = tpu.memref_slice %arg4[%add3A_57] : memref<81920000xf32, #tpu.memory_space<hbm>> -> memref<64000xf32, #tpu.memory_space<hbm>>
    tpu.enqueue_dma source(%arg6 : memref<64000xf32, #tpu.memory_space<vmem>>) target(%dma_start3A_59 : memref<64000xf32, #tpu.memory_space<hbm>>) target_semaphore(%arg10 : memref<!tpu.dma_semaphore, #tpu.memory_space<semaphore_mem>>)
    %add3A_60 = arith.constant 640000 : i32
    %add3A_61 = arith.addi %add3A_15, %add3A_60 : i32
    %add3A_62 = arith.constant 448000 : i32
    %add3A_63 = arith.addi %add3A_61, %add3A_62 : i32
    %dma_start3A_64 = tpu.memref_slice %arg4[%add3A_63] : memref<81920000xf32, #tpu.memory_space<hbm>> -> memref<64000xf32, #tpu.memory_space<hbm>>
    %dma_start3A_65 = tpu.memref_slice %arg4[%add3A_63] : memref<81920000xf32, #tpu.memory_space<hbm>> -> memref<64000xf32, #tpu.memory_space<hbm>>
    tpu.enqueue_dma source(%arg6 : memref<64000xf32, #tpu.memory_space<vmem>>) target(%dma_start3A_65 : memref<64000xf32, #tpu.memory_space<hbm>>) target_semaphore(%arg10 : memref<!tpu.dma_semaphore, #tpu.memory_space<semaphore_mem>>)
    %add3A_66 = arith.constant 640000 : i32
    %add3A_67 = arith.addi %add3A_15, %add3A_66 : i32
    %add3A_68 = arith.constant 512000 : i32
    %add3A_69 = arith.addi %add3A_67, %add3A_68 : i32
    %dma_start3A_70 = tpu.memref_slice %arg4[%add3A_69] : memref<81920000xf32, #tpu.memory_space<hbm>> -> memref<64000xf32, #tpu.memory_space<hbm>>
    %dma_start3A_71 = tpu.memref_slice %arg4[%add3A_69] : memref<81920000xf32, #tpu.memory_space<hbm>> -> memref<64000xf32, #tpu.memory_space<hbm>>
    tpu.enqueue_dma source(%arg6 : memref<64000xf32, #tpu.memory_space<vmem>>) target(%dma_start3A_71 : memref<64000xf32, #tpu.memory_space<hbm>>) target_semaphore(%arg10 : memref<!tpu.dma_semaphore, #tpu.memory_space<semaphore_mem>>)
    %add3A_72 = arith.constant 640000 : i32
    %add3A_73 = arith.addi %add3A_15, %add3A_72 : i32
    %add3A_74 = arith.constant 576000 : i32
    %add3A_75 = arith.addi %add3A_73, %add3A_74 : i32
    %dma_start3A_76 = tpu.memref_slice %arg4[%add3A_75] : memref<81920000xf32, #tpu.memory_space<hbm>> -> memref<64000xf32, #tpu.memory_space<hbm>>
    %dma_start3A_77 = tpu.memref_slice %arg4[%add3A_75] : memref<81920000xf32, #tpu.memory_space<hbm>> -> memref<64000xf32, #tpu.memory_space<hbm>>
    tpu.enqueue_dma source(%arg6 : memref<64000xf32, #tpu.memory_space<vmem>>) target(%dma_start3A_77 : memref<64000xf32, #tpu.memory_space<hbm>>) target_semaphore(%arg10 : memref<!tpu.dma_semaphore, #tpu.memory_space<semaphore_mem>>)
    %add3A_78 = arith.constant 640000 : i32
    %add3A_79 = arith.addi %add3A_15, %add3A_78 : i32
    %add3A_80 = arith.constant 640000 : i32
    %add3A_81 = arith.addi %add3A_79, %add3A_80 : i32
    %dma_start3A_82 = tpu.memref_slice %arg4[%add3A_81] : memref<81920000xf32, #tpu.memory_space<hbm>> -> memref<64000xf32, #tpu.memory_space<hbm>>
    %dma_start3A_83 = tpu.memref_slice %arg4[%add3A_81] : memref<81920000xf32, #tpu.memory_space<hbm>> -> memref<64000xf32, #tpu.memory_space<hbm>>
    tpu.enqueue_dma source(%arg6 : memref<64000xf32, #tpu.memory_space<vmem>>) target(%dma_start3A_83 : memref<64000xf32, #tpu.memory_space<hbm>>) target_semaphore(%arg10 : memref<!tpu.dma_semaphore, #tpu.memory_space<semaphore_mem>>)
    %add3A_84 = arith.constant 640000 : i32
    %add3A_85 = arith.addi %add3A_15, %add3A_84 : i32
    %add3A_86 = arith.constant 704000 : i32
    %add3A_87 = arith.addi %add3A_85, %add3A_86 : i32
    %dma_start3A_88 = tpu.memref_slice %arg4[%add3A_87] : memref<81920000xf32, #tpu.memory_space<hbm>> -> memref<64000xf32, #tpu.memory_space<hbm>>
    %dma_start3A_89 = tpu.memref_slice %arg4[%add3A_87] : memref<81920000xf32, #tpu.memory_space<hbm>> -> memref<64000xf32, #tpu.memory_space<hbm>>
    tpu.enqueue_dma source(%arg6 : memref<64000xf32, #tpu.memory_space<vmem>>) target(%dma_start3A_89 : memref<64000xf32, #tpu.memory_space<hbm>>) target_semaphore(%arg10 : memref<!tpu.dma_semaphore, #tpu.memory_space<semaphore_mem>>)
    %add3A_90 = arith.constant 640000 : i32
    %add3A_91 = arith.addi %add3A_15, %add3A_90 : i32
    %add3A_92 = arith.constant 768000 : i32
    %add3A_93 = arith.addi %add3A_91, %add3A_92 : i32
    %dma_start3A_94 = tpu.memref_slice %arg4[%add3A_93] : memref<81920000xf32, #tpu.memory_space<hbm>> -> memref<64000xf32, #tpu.memory_space<hbm>>
    %dma_start3A_95 = tpu.memref_slice %arg4[%add3A_93] : memref<81920000xf32, #tpu.memory_space<hbm>> -> memref<64000xf32, #tpu.memory_space<hbm>>
    tpu.enqueue_dma source(%arg6 : memref<64000xf32, #tpu.memory_space<vmem>>) target(%dma_start3A_95 : memref<64000xf32, #tpu.memory_space<hbm>>) target_semaphore(%arg10 : memref<!tpu.dma_semaphore, #tpu.memory_space<semaphore_mem>>)
    %add3A_96 = arith.constant 640000 : i32
    %add3A_97 = arith.addi %add3A_15, %add3A_96 : i32
    %add3A_98 = arith.constant 832000 : i32
    %add3A_99 = arith.addi %add3A_97, %add3A_98 : i32
    %dma_start3A_100 = tpu.memref_slice %arg4[%add3A_99] : memref<81920000xf32, #tpu.memory_space<hbm>> -> memref<64000xf32, #tpu.memory_space<hbm>>
    %dma_start3A_101 = tpu.memref_slice %arg4[%add3A_99] : memref<81920000xf32, #tpu.memory_space<hbm>> -> memref<64000xf32, #tpu.memory_space<hbm>>
    tpu.enqueue_dma source(%arg6 : memref<64000xf32, #tpu.memory_space<vmem>>) target(%dma_start3A_101 : memref<64000xf32, #tpu.memory_space<hbm>>) target_semaphore(%arg10 : memref<!tpu.dma_semaphore, #tpu.memory_space<semaphore_mem>>)
    %add3A_102 = arith.constant 640000 : i32
    %add3A_103 = arith.addi %add3A_15, %add3A_102 : i32
    %add3A_104 = arith.constant 896000 : i32
    %add3A_105 = arith.addi %add3A_103, %add3A_104 : i32
    %dma_start3A_106 = tpu.memref_slice %arg4[%add3A_105] : memref<81920000xf32, #tpu.memory_space<hbm>> -> memref<64000xf32, #tpu.memory_space<hbm>>
    %dma_start3A_107 = tpu.memref_slice %arg4[%add3A_105] : memref<81920000xf32, #tpu.memory_space<hbm>> -> memref<64000xf32, #tpu.memory_space<hbm>>
    tpu.enqueue_dma source(%arg6 : memref<64000xf32, #tpu.memory_space<vmem>>) target(%dma_start3A_107 : memref<64000xf32, #tpu.memory_space<hbm>>) target_semaphore(%arg10 : memref<!tpu.dma_semaphore, #tpu.memory_space<semaphore_mem>>)
    %add3A_108 = arith.constant 640000 : i32
    %add3A_109 = arith.addi %add3A_15, %add3A_108 : i32
    %add3A_110 = arith.constant 960000 : i32
    %add3A_111 = arith.addi %add3A_109, %add3A_110 : i32
    %dma_start3A_112 = tpu.memref_slice %arg4[%add3A_111] : memref<81920000xf32, #tpu.memory_space<hbm>> -> memref<64000xf32, #tpu.memory_space<hbm>>
    %dma_start3A_113 = tpu.memref_slice %arg4[%add3A_111] : memref<81920000xf32, #tpu.memory_space<hbm>> -> memref<64000xf32, #tpu.memory_space<hbm>>
    tpu.enqueue_dma source(%arg6 : memref<64000xf32, #tpu.memory_space<vmem>>) target(%dma_start3A_113 : memref<64000xf32, #tpu.memory_space<hbm>>) target_semaphore(%arg10 : memref<!tpu.dma_semaphore, #tpu.memory_space<semaphore_mem>>)
    %add3A_114 = arith.constant 640000 : i32
    %add3A_115 = arith.addi %add3A_15, %add3A_114 : i32
    %add3A_116 = arith.constant 1024000 : i32
    %add3A_117 = arith.addi %add3A_115, %add3A_116 : i32
    %dma_start3A_118 = tpu.memref_slice %arg4[%add3A_117] : memref<81920000xf32, #tpu.memory_space<hbm>> -> memref<64000xf32, #tpu.memory_space<hbm>>
    %dma_start3A_119 = tpu.memref_slice %arg4[%add3A_117] : memref<81920000xf32, #tpu.memory_space<hbm>> -> memref<64000xf32, #tpu.memory_space<hbm>>
    tpu.enqueue_dma source(%arg6 : memref<64000xf32, #tpu.memory_space<vmem>>) target(%dma_start3A_119 : memref<64000xf32, #tpu.memory_space<hbm>>) target_semaphore(%arg10 : memref<!tpu.dma_semaphore, #tpu.memory_space<semaphore_mem>>)
    %add3A_120 = arith.constant 640000 : i32
    %add3A_121 = arith.addi %add3A_15, %add3A_120 : i32
    %add3A_122 = arith.constant 1088000 : i32
    %add3A_123 = arith.addi %add3A_121, %add3A_122 : i32
    %dma_start3A_124 = tpu.memref_slice %arg4[%add3A_123] : memref<81920000xf32, #tpu.memory_space<hbm>> -> memref<64000xf32, #tpu.memory_space<hbm>>
    %dma_start3A_125 = tpu.memref_slice %arg4[%add3A_123] : memref<81920000xf32, #tpu.memory_space<hbm>> -> memref<64000xf32, #tpu.memory_space<hbm>>
    tpu.enqueue_dma source(%arg6 : memref<64000xf32, #tpu.memory_space<vmem>>) target(%dma_start3A_125 : memref<64000xf32, #tpu.memory_space<hbm>>) target_semaphore(%arg10 : memref<!tpu.dma_semaphore, #tpu.memory_space<semaphore_mem>>)
    %add3A_126 = arith.constant 640000 : i32
    %add3A_127 = arith.addi %add3A_15, %add3A_126 : i32
    %add3A_128 = arith.constant 1152000 : i32
    %add3A_129 = arith.addi %add3A_127, %add3A_128 : i32
    %dma_start3A_130 = tpu.memref_slice %arg4[%add3A_129] : memref<81920000xf32, #tpu.memory_space<hbm>> -> memref<64000xf32, #tpu.memory_space<hbm>>
    %dma_start3A_131 = tpu.memref_slice %arg4[%add3A_129] : memref<81920000xf32, #tpu.memory_space<hbm>> -> memref<64000xf32, #tpu.memory_space<hbm>>
    tpu.enqueue_dma source(%arg6 : memref<64000xf32, #tpu.memory_space<vmem>>) target(%dma_start3A_131 : memref<64000xf32, #tpu.memory_space<hbm>>) target_semaphore(%arg10 : memref<!tpu.dma_semaphore, #tpu.memory_space<semaphore_mem>>)
    %add3A_132 = arith.constant 640000 : i32
    %add3A_133 = arith.addi %add3A_15, %add3A_132 : i32
    %add3A_134 = arith.constant 1216000 : i32
    %add3A_135 = arith.addi %add3A_133, %add3A_134 : i32
    %dma_start3A_136 = tpu.memref_slice %arg4[%add3A_135] : memref<81920000xf32, #tpu.memory_space<hbm>> -> memref<64000xf32, #tpu.memory_space<hbm>>
    %dma_start3A_137 = tpu.memref_slice %arg4[%add3A_135] : memref<81920000xf32, #tpu.memory_space<hbm>> -> memref<64000xf32, #tpu.memory_space<hbm>>
    tpu.enqueue_dma source(%arg6 : memref<64000xf32, #tpu.memory_space<vmem>>) target(%dma_start3A_137 : memref<64000xf32, #tpu.memory_space<hbm>>) target_semaphore(%arg10 : memref<!tpu.dma_semaphore, #tpu.memory_space<semaphore_mem>>)
    %add3A_138 = arith.constant 640000 : i32
    %add3A_139 = arith.addi %add3A_15, %add3A_138 : i32
    %add3A_140 = arith.constant 1280000 : i32
    %add3A_141 = arith.addi %add3A_139, %add3A_140 : i32
    %dma_start3A_142 = tpu.memref_slice %arg4[%add3A_141] : memref<81920000xf32, #tpu.memory_space<hbm>> -> memref<64000xf32, #tpu.memory_space<hbm>>
    %dma_start3A_143 = tpu.memref_slice %arg4[%add3A_141] : memref<81920000xf32, #tpu.memory_space<hbm>> -> memref<64000xf32, #tpu.memory_space<hbm>>
    tpu.enqueue_dma source(%arg6 : memref<64000xf32, #tpu.memory_space<vmem>>) target(%dma_start3A_143 : memref<64000xf32, #tpu.memory_space<hbm>>) target_semaphore(%arg10 : memref<!tpu.dma_semaphore, #tpu.memory_space<semaphore_mem>>)
    %add3A_144 = arith.constant 640000 : i32
    %add3A_145 = arith.addi %add3A_15, %add3A_144 : i32
    %add3A_146 = arith.constant 1344000 : i32
    %add3A_147 = arith.addi %add3A_145, %add3A_146 : i32
    %dma_start3A_148 = tpu.memref_slice %arg4[%add3A_147] : memref<81920000xf32, #tpu.memory_space<hbm>> -> memref<64000xf32, #tpu.memory_space<hbm>>
    %dma_start3A_149 = tpu.memref_slice %arg4[%add3A_147] : memref<81920000xf32, #tpu.memory_space<hbm>> -> memref<64000xf32, #tpu.memory_space<hbm>>
    tpu.enqueue_dma source(%arg6 : memref<64000xf32, #tpu.memory_space<vmem>>) target(%dma_start3A_149 : memref<64000xf32, #tpu.memory_space<hbm>>) target_semaphore(%arg10 : memref<!tpu.dma_semaphore, #tpu.memory_space<semaphore_mem>>)
    %add3A_150 = arith.constant 640000 : i32
    %add3A_151 = arith.addi %add3A_15, %add3A_150 : i32
    %add3A_152 = arith.constant 1408000 : i32
    %add3A_153 = arith.addi %add3A_151, %add3A_152 : i32
    %dma_start3A_154 = tpu.memref_slice %arg4[%add3A_153] : memref<81920000xf32, #tpu.memory_space<hbm>> -> memref<64000xf32, #tpu.memory_space<hbm>>
    %dma_start3A_155 = tpu.memref_slice %arg4[%add3A_153] : memref<81920000xf32, #tpu.memory_space<hbm>> -> memref<64000xf32, #tpu.memory_space<hbm>>
    tpu.enqueue_dma source(%arg6 : memref<64000xf32, #tpu.memory_space<vmem>>) target(%dma_start3A_155 : memref<64000xf32, #tpu.memory_space<hbm>>) target_semaphore(%arg10 : memref<!tpu.dma_semaphore, #tpu.memory_space<semaphore_mem>>)
    %add3A_156 = arith.constant 640000 : i32
    %add3A_157 = arith.addi %add3A_15, %add3A_156 : i32
    %add3A_158 = arith.constant 1472000 : i32
    %add3A_159 = arith.addi %add3A_157, %add3A_158 : i32
    %dma_start3A_160 = tpu.memref_slice %arg4[%add3A_159] : memref<81920000xf32, #tpu.memory_space<hbm>> -> memref<64000xf32, #tpu.memory_space<hbm>>
    %dma_start3A_161 = tpu.memref_slice %arg4[%add3A_159] : memref<81920000xf32, #tpu.memory_space<hbm>> -> memref<64000xf32, #tpu.memory_space<hbm>>
    tpu.enqueue_dma source(%arg6 : memref<64000xf32, #tpu.memory_space<vmem>>) target(%dma_start3A_161 : memref<64000xf32, #tpu.memory_space<hbm>>) target_semaphore(%arg10 : memref<!tpu.dma_semaphore, #tpu.memory_space<semaphore_mem>>)
    %add3A_162 = arith.constant 640000 : i32
    %add3A_163 = arith.addi %add3A_15, %add3A_162 : i32
    %add3A_164 = arith.constant 1536000 : i32
    %add3A_165 = arith.addi %add3A_163, %add3A_164 : i32
    %dma_start3A_166 = tpu.memref_slice %arg4[%add3A_165] : memref<81920000xf32, #tpu.memory_space<hbm>> -> memref<64000xf32, #tpu.memory_space<hbm>>
    %dma_start3A_167 = tpu.memref_slice %arg4[%add3A_165] : memref<81920000xf32, #tpu.memory_space<hbm>> -> memref<64000xf32, #tpu.memory_space<hbm>>
    tpu.enqueue_dma source(%arg6 : memref<64000xf32, #tpu.memory_space<vmem>>) target(%dma_start3A_167 : memref<64000xf32, #tpu.memory_space<hbm>>) target_semaphore(%arg10 : memref<!tpu.dma_semaphore, #tpu.memory_space<semaphore_mem>>)
    %add3A_168 = arith.constant 640000 : i32
    %add3A_169 = arith.addi %add3A_15, %add3A_168 : i32
    %add3A_170 = arith.constant 1600000 : i32
    %add3A_171 = arith.addi %add3A_169, %add3A_170 : i32
    %dma_start3A_172 = tpu.memref_slice %arg4[%add3A_171] : memref<81920000xf32, #tpu.memory_space<hbm>> -> memref<64000xf32, #tpu.memory_space<hbm>>
    %dma_start3A_173 = tpu.memref_slice %arg4[%add3A_171] : memref<81920000xf32, #tpu.memory_space<hbm>> -> memref<64000xf32, #tpu.memory_space<hbm>>
    tpu.enqueue_dma source(%arg6 : memref<64000xf32, #tpu.memory_space<vmem>>) target(%dma_start3A_173 : memref<64000xf32, #tpu.memory_space<hbm>>) target_semaphore(%arg10 : memref<!tpu.dma_semaphore, #tpu.memory_space<semaphore_mem>>)
    %add3A_174 = arith.constant 640000 : i32
    %add3A_175 = arith.addi %add3A_15, %add3A_174 : i32
    %add3A_176 = arith.constant 1664000 : i32
    %add3A_177 = arith.addi %add3A_175, %add3A_176 : i32
    %dma_start3A_178 = tpu.memref_slice %arg4[%add3A_177] : memref<81920000xf32, #tpu.memory_space<hbm>> -> memref<64000xf32, #tpu.memory_space<hbm>>
    %dma_start3A_179 = tpu.memref_slice %arg4[%add3A_177] : memref<81920000xf32, #tpu.memory_space<hbm>> -> memref<64000xf32, #tpu.memory_space<hbm>>
    tpu.enqueue_dma source(%arg6 : memref<64000xf32, #tpu.memory_space<vmem>>) target(%dma_start3A_179 : memref<64000xf32, #tpu.memory_space<hbm>>) target_semaphore(%arg10 : memref<!tpu.dma_semaphore, #tpu.memory_space<semaphore_mem>>)
    %add3A_180 = arith.constant 640000 : i32
    %add3A_181 = arith.addi %add3A_15, %add3A_180 : i32
    %add3A_182 = arith.constant 1728000 : i32
    %add3A_183 = arith.addi %add3A_181, %add3A_182 : i32
    %dma_start3A_184 = tpu.memref_slice %arg4[%add3A_183] : memref<81920000xf32, #tpu.memory_space<hbm>> -> memref<64000xf32, #tpu.memory_space<hbm>>
    %dma_start3A_185 = tpu.memref_slice %arg4[%add3A_183] : memref<81920000xf32, #tpu.memory_space<hbm>> -> memref<64000xf32, #tpu.memory_space<hbm>>
    tpu.enqueue_dma source(%arg6 : memref<64000xf32, #tpu.memory_space<vmem>>) target(%dma_start3A_185 : memref<64000xf32, #tpu.memory_space<hbm>>) target_semaphore(%arg10 : memref<!tpu.dma_semaphore, #tpu.memory_space<semaphore_mem>>)
    %add3A_186 = arith.constant 640000 : i32
    %add3A_187 = arith.addi %add3A_15, %add3A_186 : i32
    %add3A_188 = arith.constant 1792000 : i32
    %add3A_189 = arith.addi %add3A_187, %add3A_188 : i32
    %dma_start3A_190 = tpu.memref_slice %arg4[%add3A_189] : memref<81920000xf32, #tpu.memory_space<hbm>> -> memref<64000xf32, #tpu.memory_space<hbm>>
    %dma_start3A_191 = tpu.memref_slice %arg4[%add3A_189] : memref<81920000xf32, #tpu.memory_space<hbm>> -> memref<64000xf32, #tpu.memory_space<hbm>>
    tpu.enqueue_dma source(%arg6 : memref<64000xf32, #tpu.memory_space<vmem>>) target(%dma_start3A_191 : memref<64000xf32, #tpu.memory_space<hbm>>) target_semaphore(%arg10 : memref<!tpu.dma_semaphore, #tpu.memory_space<semaphore_mem>>)
    %add3A_192 = arith.constant 640000 : i32
    %add3A_193 = arith.addi %add3A_15, %add3A_192 : i32
    %add3A_194 = arith.constant 1856000 : i32
    %add3A_195 = arith.addi %add3A_193, %add3A_194 : i32
    %dma_start3A_196 = tpu.memref_slice %arg4[%add3A_195] : memref<81920000xf32, #tpu.memory_space<hbm>> -> memref<64000xf32, #tpu.memory_space<hbm>>
    %dma_start3A_197 = tpu.memref_slice %arg4[%add3A_195] : memref<81920000xf32, #tpu.memory_space<hbm>> -> memref<64000xf32, #tpu.memory_space<hbm>>
    tpu.enqueue_dma source(%arg6 : memref<64000xf32, #tpu.memory_space<vmem>>) target(%dma_start3A_197 : memref<64000xf32, #tpu.memory_space<hbm>>) target_semaphore(%arg10 : memref<!tpu.dma_semaphore, #tpu.memory_space<semaphore_mem>>)
    "tpu.region"() ({
      %run_scoped3A = tpu.sem_alloc : memref<!tpu.dma_semaphore, #tpu.memory_space<semaphore_mem>>
      %dma_start3A_599 = tpu.memref_slice %arg2[%mul3A_2] : memref<81920xi32, #tpu.memory_space<hbm>> -> memref<2560xi32, #tpu.memory_space<hbm>>
      %dma_start3A_600 = tpu.memref_slice %arg2[%mul3A_2] : memref<81920xi32, #tpu.memory_space<hbm>> -> memref<2560xi32, #tpu.memory_space<hbm>>
      tpu.enqueue_dma source(%dma_start3A_600 : memref<2560xi32, #tpu.memory_space<hbm>>) target(%arg7 : memref<2560xi32, #tpu.memory_space<vmem>>) target_semaphore(%run_scoped3A : memref<!tpu.dma_semaphore, #tpu.memory_space<semaphore_mem>>)
      %dma_wait3A_601 = tpu.memref_slice %arg2[%mul3A_2] : memref<81920xi32, #tpu.memory_space<hbm>> -> memref<2560xi32, #tpu.memory_space<hbm>>
      %dma_wait3A_602 = tpu.memref_slice %arg2[%mul3A_2] : memref<81920xi32, #tpu.memory_space<hbm>> -> memref<2560xi32, #tpu.memory_space<hbm>>
      tpu.wait_dma2 semaphore(%run_scoped3A : memref<!tpu.dma_semaphore, #tpu.memory_space<semaphore_mem>>) src(%dma_wait3A_602 : memref<2560xi32, #tpu.memory_space<hbm>>) dst(%arg7 : memref<2560xi32, #tpu.memory_space<vmem>>)
      tpu.yield
    }) : () -> ()
    %iota3A = tpu.iota {dimensions = array<i32: 0>} : vector<16xi32>
    %broadcast_in_dim3A_198 = arith.constant 1.000000e+00 : f32
    %broadcast_in_dim3A_199 = vector.broadcast %broadcast_in_dim3A_198 : f32 to vector<16xf32>
    %swap3A = arith.constant 0 : index
    %swap3A_200 = tpu.vector_load %arg9[%swap3A] {strides = array<i32>} : memref<128xf32, #tpu.memory_space<vmem>>, vector<16xf32>,
    %swap3A_201 = vector.shape_cast %swap3A_200 : vector<16xf32> to vector<16xf32>
    %swap3A_202 = vector.shape_cast %broadcast_in_dim3A_199 : vector<16xf32> to vector<16xf32>
    tpu.vector_store %arg9[%swap3A], %swap3A_202 {strides = array<i32>} : memref<128xf32, #tpu.memory_space<vmem>>, vector<16xf32>,
    %swap3A_203 = arith.constant 16 : index
    %swap3A_204 = tpu.vector_load %arg9[%swap3A_203] {strides = array<i32>} : memref<128xf32, #tpu.memory_space<vmem>>, vector<16xf32>,
    %swap3A_205 = vector.shape_cast %swap3A_204 : vector<16xf32> to vector<16xf32>
    %swap3A_206 = vector.shape_cast %broadcast_in_dim3A_199 : vector<16xf32> to vector<16xf32>
    tpu.vector_store %arg9[%swap3A_203], %swap3A_206 {strides = array<i32>} : memref<128xf32, #tpu.memory_space<vmem>>, vector<16xf32>,
    %swap3A_207 = arith.constant 32 : index
    %swap3A_208 = tpu.vector_load %arg9[%swap3A_207] {strides = array<i32>} : memref<128xf32, #tpu.memory_space<vmem>>, vector<16xf32>,
    %swap3A_209 = vector.shape_cast %swap3A_208 : vector<16xf32> to vector<16xf32>
    %swap3A_210 = vector.shape_cast %broadcast_in_dim3A_199 : vector<16xf32> to vector<16xf32>
    tpu.vector_store %arg9[%swap3A_207], %swap3A_210 {strides = array<i32>} : memref<128xf32, #tpu.memory_space<vmem>>, vector<16xf32>,
    %swap3A_211 = arith.constant 48 : index
    %swap3A_212 = tpu.vector_load %arg9[%swap3A_211] {strides = array<i32>} : memref<128xf32, #tpu.memory_space<vmem>>, vector<16xf32>,
    %swap3A_213 = vector.shape_cast %swap3A_212 : vector<16xf32> to vector<16xf32>
    %swap3A_214 = vector.shape_cast %broadcast_in_dim3A_199 : vector<16xf32> to vector<16xf32>
    tpu.vector_store %arg9[%swap3A_211], %swap3A_214 {strides = array<i32>} : memref<128xf32, #tpu.memory_space<vmem>>, vector<16xf32>,
    %swap3A_215 = arith.constant 64 : index
    %swap3A_216 = tpu.vector_load %arg9[%swap3A_215] {strides = array<i32>} : memref<128xf32, #tpu.memory_space<vmem>>, vector<16xf32>,
    %swap3A_217 = vector.shape_cast %swap3A_216 : vector<16xf32> to vector<16xf32>
    %swap3A_218 = vector.shape_cast %broadcast_in_dim3A_199 : vector<16xf32> to vector<16xf32>
    tpu.vector_store %arg9[%swap3A_215], %swap3A_218 {strides = array<i32>} : memref<128xf32, #tpu.memory_space<vmem>>, vector<16xf32>,
    %swap3A_219 = arith.constant 80 : index
    %swap3A_220 = tpu.vector_load %arg9[%swap3A_219] {strides = array<i32>} : memref<128xf32, #tpu.memory_space<vmem>>, vector<16xf32>,
    %swap3A_221 = vector.shape_cast %swap3A_220 : vector<16xf32> to vector<16xf32>
    %swap3A_222 = vector.shape_cast %broadcast_in_dim3A_199 : vector<16xf32> to vector<16xf32>
    tpu.vector_store %arg9[%swap3A_219], %swap3A_222 {strides = array<i32>} : memref<128xf32, #tpu.memory_space<vmem>>, vector<16xf32>,
    %swap3A_223 = arith.constant 96 : index
    %swap3A_224 = tpu.vector_load %arg9[%swap3A_223] {strides = array<i32>} : memref<128xf32, #tpu.memory_space<vmem>>, vector<16xf32>,
    %swap3A_225 = vector.shape_cast %swap3A_224 : vector<16xf32> to vector<16xf32>
    %swap3A_226 = vector.shape_cast %broadcast_in_dim3A_199 : vector<16xf32> to vector<16xf32>
    tpu.vector_store %arg9[%swap3A_223], %swap3A_226 {strides = array<i32>} : memref<128xf32, #tpu.memory_space<vmem>>, vector<16xf32>,
    %swap3A_227 = arith.constant 112 : index
    %swap3A_228 = tpu.vector_load %arg9[%swap3A_227] {strides = array<i32>} : memref<128xf32, #tpu.memory_space<vmem>>, vector<16xf32>,
    %swap3A_229 = vector.shape_cast %swap3A_228 : vector<16xf32> to vector<16xf32>
    %swap3A_230 = vector.shape_cast %broadcast_in_dim3A_199 : vector<16xf32> to vector<16xf32>
    tpu.vector_store %arg9[%swap3A_227], %swap3A_230 {strides = array<i32>} : memref<128xf32, #tpu.memory_space<vmem>>, vector<16xf32>,
    %scan3A_231 = arith.constant 0 : i32
    %scan3A_232 = arith.constant 0 : i32
    %scan3A_233 = arith.constant 20 : i32
    %scan3A_234 = arith.addi %scan3A_232, %scan3A_233 : i32
    %scan3A_235 = arith.constant 1 : i32
    scf.for %scan3A_599 = %scan3A_232 to %scan3A_234 step %scan3A_235  : i32 {
      %mul3A_600 = arith.constant 128 : i32
      %mul3A_601 = arith.muli %scan3A_599, %mul3A_600 : i32
      %add3A_602 = arith.constant 0 : i32
      %add3A_603 = arith.addi %mul3A_601, %add3A_602 : i32
      %jit3A = arith.constant 256 : i32
      %div3A = arith.divsi %add3A_603, %jit3A : i32
      %sign3A = arith.constant 0 : i32
      %sign3A_604 = arith.cmpi sgt, %add3A_603, %sign3A : i32
      %sign3A_605 = arith.extui %sign3A_604 : i1 to i32
      %sign3A_606 = arith.constant 0 : i32
      %sign3A_607 = arith.cmpi slt, %add3A_603, %sign3A_606 : i32
      %sign3A_608 = arith.extui %sign3A_607 : i1 to i32
      %sign3A_609 = arith.subi %sign3A_605, %sign3A_608 : i32
      %sign3A_610 = arith.constant 0 : i32
      %sign3A_611 = arith.cmpi sgt, %jit3A, %sign3A_610 : i32
      %sign3A_612 = arith.extui %sign3A_611 : i1 to i32
      %sign3A_613 = arith.constant 0 : i32
      %sign3A_614 = arith.cmpi slt, %jit3A, %sign3A_613 : i32
      %sign3A_615 = arith.extui %sign3A_614 : i1 to i32
      %sign3A_616 = arith.subi %sign3A_612, %sign3A_615 : i32
      %ne3A = arith.cmpi ne, %sign3A_609, %sign3A_616 : i32
      %rem3A = arith.remsi %add3A_603, %jit3A : i32
      %ne3A_617 = arith.constant 0 : i32
      %ne3A_618 = arith.cmpi ne, %rem3A, %ne3A_617 : i32
      %and3A = arith.andi %ne3A, %ne3A_618 : i1
      %sub3A = arith.constant 1 : i32
      %sub3A_619 = arith.subi %div3A, %sub3A : i32
      %select_n3A = arith.select %and3A, %sub3A_619, %div3A : i32
      %mul3A_620 = arith.constant 256 : i32
      %mul3A_621 = arith.muli %select_n3A, %mul3A_620 : i32
      %sub3A_622 = arith.subi %add3A_603, %mul3A_621 : i32
      %mul3A_623 = arith.constant 2 : i32
      %mul3A_624 = arith.muli %arg1, %mul3A_623 : i32
      %jit3A_625 = arith.constant 128 : i32
      %div3A_626 = arith.divsi %sub3A_622, %jit3A_625 : i32
      %sign3A_627 = arith.constant 0 : i32
      %sign3A_628 = arith.cmpi sgt, %sub3A_622, %sign3A_627 : i32
      %sign3A_629 = arith.extui %sign3A_628 : i1 to i32
      %sign3A_630 = arith.constant 0 : i32
      %sign3A_631 = arith.cmpi slt, %sub3A_622, %sign3A_630 : i32
      %sign3A_632 = arith.extui %sign3A_631 : i1 to i32
      %sign3A_633 = arith.subi %sign3A_629, %sign3A_632 : i32
      %sign3A_634 = arith.constant 0 : i32
      %sign3A_635 = arith.cmpi sgt, %jit3A_625, %sign3A_634 : i32
      %sign3A_636 = arith.extui %sign3A_635 : i1 to i32
      %sign3A_637 = arith.constant 0 : i32
      %sign3A_638 = arith.cmpi slt, %jit3A_625, %sign3A_637 : i32
      %sign3A_639 = arith.extui %sign3A_638 : i1 to i32
      %sign3A_640 = arith.subi %sign3A_636, %sign3A_639 : i32
      %ne3A_641 = arith.cmpi ne, %sign3A_633, %sign3A_640 : i32
      %rem3A_642 = arith.remsi %sub3A_622, %jit3A_625 : i32
      %ne3A_643 = arith.constant 0 : i32
      %ne3A_644 = arith.cmpi ne, %rem3A_642, %ne3A_643 : i32
      %and3A_645 = arith.andi %ne3A_641, %ne3A_644 : i1
      %sub3A_646 = arith.constant 1 : i32
      %sub3A_647 = arith.subi %div3A_626, %sub3A_646 : i32
      %select_n3A_648 = arith.select %and3A_645, %sub3A_647, %div3A_626 : i32
      %add3A_649 = arith.addi %mul3A_624, %select_n3A_648 : i32
      %mul3A_650 = arith.constant 10 : i32
      %mul3A_651 = arith.muli %arg0, %mul3A_650 : i32
      %add3A_652 = arith.addi %mul3A_651, %select_n3A : i32
      %mul3A_653 = arith.constant 4096000 : i32
      %mul3A_654 = arith.muli %add3A_652, %mul3A_653 : i32
      %mul3A_655 = arith.constant 1024 : i32
      %mul3A_656 = arith.muli %add3A_649, %mul3A_655 : i32
      %add3A_657 = arith.addi %mul3A_654, %mul3A_656 : i32
      %jit3A_658 = arith.constant 128 : i32
      %eq3A_659 = arith.constant 0 : i32
      %eq3A_660 = arith.cmpi eq, %jit3A_658, %eq3A_659 : i32
      %jit3A_661 = arith.constant 1 : i32
      %select_n3A_662 = arith.select %eq3A_660, %jit3A_661, %jit3A_658 : i32
      %rem3A_663 = arith.remsi %sub3A_622, %select_n3A_662 : i32
      %ne3A_664 = arith.constant 0 : i32
      %ne3A_665 = arith.cmpi ne, %rem3A_663, %ne3A_664 : i32
      %lt3A = arith.constant 0 : i32
      %lt3A_666 = arith.cmpi slt, %rem3A_663, %lt3A : i32
      %lt3A_667 = arith.constant 0 : i32
      %lt3A_668 = arith.cmpi slt, %select_n3A_662, %lt3A_667 : i32
      %ne3A_669 = arith.xori %lt3A_666, %lt3A_668 : i1
      %and3A_670 = arith.andi %ne3A_669, %ne3A_665 : i1
      %add3A_671 = arith.addi %rem3A_663, %select_n3A_662 : i32
      %select_n3A_672 = arith.select %and3A_670, %add3A_671, %rem3A_663 : i32
      %add3A_673 = arith.addi %add3A_657, %select_n3A_672 : i32
      %get3A = arith.index_cast %add3A_603 : i32 to index
      %get3A_674 = tpu.vector_load %arg7[%get3A] {strides = array<i32>} : memref<2560xi32, #tpu.memory_space<vmem>>, vector<16xi32>,
      %get3A_675 = vector.shape_cast %get3A_674 : vector<16xi32> to vector<16xi32>
      %shift_right_arithmetic3A = arith.constant 3 : i32
      %shift_right_arithmetic3A_676 = vector.broadcast %shift_right_arithmetic3A : i32 to vector<16xi32>
      %shift_right_arithmetic3A_677 = arith.shrsi %get3A_675, %shift_right_arithmetic3A_676 : vector<16xi32>
      %mul3A_678 = arith.constant 32768 : i32
      %mul3A_679 = vector.broadcast %mul3A_678 : i32 to vector<16xi32>
      %mul3A_680 = arith.muli %shift_right_arithmetic3A_677, %mul3A_679 : vector<16xi32>
      %add3A_681 = vector.broadcast %add3A_673 : i32 to vector<16xi32>
      %add3A_682 = arith.addi %add3A_681, %mul3A_680 : vector<16xi32>
      %and3A_683 = arith.constant 7 : i32
      %and3A_684 = vector.broadcast %and3A_683 : i32 to vector<16xi32>
      %and3A_685 = arith.andi %get3A_675, %and3A_684 : vector<16xi32>
      %mul3A_686 = arith.constant 128 : i32
      %mul3A_687 = vector.broadcast %mul3A_686 : i32 to vector<16xi32>
      %mul3A_688 = arith.muli %and3A_685, %mul3A_687 : vector<16xi32>
      %add3A_689 = arith.addi %add3A_682, %mul3A_688 : vector<16xi32>
      %add3A_690 = arith.addi %add3A_689, %iota3A : vector<16xi32>
      %swap3A_691 = arith.index_cast %scan3A_599 : i32 to index
      %swap3A_692 = arith.constant 0 : index
      %swap3A_693 = tpu.vector_load %arg8[%swap3A_691, %swap3A_692] {strides = array<i32>} : memref<20x128xi32, #tpu.memory_space<vmem>>, vector<1x16xi32>,
      %swap3A_694 = vector.shape_cast %swap3A_693 : vector<1x16xi32> to vector<16xi32>
      %swap3A_695 = vector.shape_cast %add3A_690 : vector<16xi32> to vector<1x16xi32>
      tpu.vector_store %arg8[%swap3A_691, %swap3A_692], %swap3A_695 {strides = array<i32>} : memref<20x128xi32, #tpu.memory_space<vmem>>, vector<1x16xi32>,
      %mul3A_696 = arith.constant 128 : i32
      %mul3A_697 = arith.muli %scan3A_599, %mul3A_696 : i32
      %add3A_698 = arith.constant 16 : i32
      %add3A_699 = arith.addi %mul3A_697, %add3A_698 : i32
      %jit3A_700 = arith.constant 256 : i32
      %div3A_701 = arith.divsi %add3A_699, %jit3A_700 : i32
      %sign3A_702 = arith.constant 0 : i32
      %sign3A_703 = arith.cmpi sgt, %add3A_699, %sign3A_702 : i32
      %sign3A_704 = arith.extui %sign3A_703 : i1 to i32
      %sign3A_705 = arith.constant 0 : i32
      %sign3A_706 = arith.cmpi slt, %add3A_699, %sign3A_705 : i32
      %sign3A_707 = arith.extui %sign3A_706 : i1 to i32
      %sign3A_708 = arith.subi %sign3A_704, %sign3A_707 : i32
      %sign3A_709 = arith.constant 0 : i32
      %sign3A_710 = arith.cmpi sgt, %jit3A_700, %sign3A_709 : i32
      %sign3A_711 = arith.extui %sign3A_710 : i1 to i32
      %sign3A_712 = arith.constant 0 : i32
      %sign3A_713 = arith.cmpi slt, %jit3A_700, %sign3A_712 : i32
      %sign3A_714 = arith.extui %sign3A_713 : i1 to i32
      %sign3A_715 = arith.subi %sign3A_711, %sign3A_714 : i32
      %ne3A_716 = arith.cmpi ne, %sign3A_708, %sign3A_715 : i32
      %rem3A_717 = arith.remsi %add3A_699, %jit3A_700 : i32
      %ne3A_718 = arith.constant 0 : i32
      %ne3A_719 = arith.cmpi ne, %rem3A_717, %ne3A_718 : i32
      %and3A_720 = arith.andi %ne3A_716, %ne3A_719 : i1
      %sub3A_721 = arith.constant 1 : i32
      %sub3A_722 = arith.subi %div3A_701, %sub3A_721 : i32
      %select_n3A_723 = arith.select %and3A_720, %sub3A_722, %div3A_701 : i32
      %mul3A_724 = arith.constant 256 : i32
      %mul3A_725 = arith.muli %select_n3A_723, %mul3A_724 : i32
      %sub3A_726 = arith.subi %add3A_699, %mul3A_725 : i32
      %mul3A_727 = arith.constant 2 : i32
      %mul3A_728 = arith.muli %arg1, %mul3A_727 : i32
      %jit3A_729 = arith.constant 128 : i32
      %div3A_730 = arith.divsi %sub3A_726, %jit3A_729 : i32
      %sign3A_731 = arith.constant 0 : i32
      %sign3A_732 = arith.cmpi sgt, %sub3A_726, %sign3A_731 : i32
      %sign3A_733 = arith.extui %sign3A_732 : i1 to i32
      %sign3A_734 = arith.constant 0 : i32
      %sign3A_735 = arith.cmpi slt, %sub3A_726, %sign3A_734 : i32
      %sign3A_736 = arith.extui %sign3A_735 : i1 to i32
      %sign3A_737 = arith.subi %sign3A_733, %sign3A_736 : i32
      %sign3A_738 = arith.constant 0 : i32
      %sign3A_739 = arith.cmpi sgt, %jit3A_729, %sign3A_738 : i32
      %sign3A_740 = arith.extui %sign3A_739 : i1 to i32
      %sign3A_741 = arith.constant 0 : i32
      %sign3A_742 = arith.cmpi slt, %jit3A_729, %sign3A_741 : i32
      %sign3A_743 = arith.extui %sign3A_742 : i1 to i32
      %sign3A_744 = arith.subi %sign3A_740, %sign3A_743 : i32
      %ne3A_745 = arith.cmpi ne, %sign3A_737, %sign3A_744 : i32
      %rem3A_746 = arith.remsi %sub3A_726, %jit3A_729 : i32
      %ne3A_747 = arith.constant 0 : i32
      %ne3A_748 = arith.cmpi ne, %rem3A_746, %ne3A_747 : i32
      %and3A_749 = arith.andi %ne3A_745, %ne3A_748 : i1
      %sub3A_750 = arith.constant 1 : i32
      %sub3A_751 = arith.subi %div3A_730, %sub3A_750 : i32
      %select_n3A_752 = arith.select %and3A_749, %sub3A_751, %div3A_730 : i32
      %add3A_753 = arith.addi %mul3A_728, %select_n3A_752 : i32
      %mul3A_754 = arith.constant 10 : i32
      %mul3A_755 = arith.muli %arg0, %mul3A_754 : i32
      %add3A_756 = arith.addi %mul3A_755, %select_n3A_723 : i32
      %mul3A_757 = arith.constant 4096000 : i32
      %mul3A_758 = arith.muli %add3A_756, %mul3A_757 : i32
      %mul3A_759 = arith.constant 1024 : i32
      %mul3A_760 = arith.muli %add3A_753, %mul3A_759 : i32
      %add3A_761 = arith.addi %mul3A_758, %mul3A_760 : i32
      %jit3A_762 = arith.constant 128 : i32
      %eq3A_763 = arith.constant 0 : i32
      %eq3A_764 = arith.cmpi eq, %jit3A_762, %eq3A_763 : i32
      %jit3A_765 = arith.constant 1 : i32
      %select_n3A_766 = arith.select %eq3A_764, %jit3A_765, %jit3A_762 : i32
      %rem3A_767 = arith.remsi %sub3A_726, %select_n3A_766 : i32
      %ne3A_768 = arith.constant 0 : i32
      %ne3A_769 = arith.cmpi ne, %rem3A_767, %ne3A_768 : i32
      %lt3A_770 = arith.constant 0 : i32
      %lt3A_771 = arith.cmpi slt, %rem3A_767, %lt3A_770 : i32
      %lt3A_772 = arith.constant 0 : i32
      %lt3A_773 = arith.cmpi slt, %select_n3A_766, %lt3A_772 : i32
      %ne3A_774 = arith.xori %lt3A_771, %lt3A_773 : i1
      %and3A_775 = arith.andi %ne3A_774, %ne3A_769 : i1
      %add3A_776 = arith.addi %rem3A_767, %select_n3A_766 : i32
      %select_n3A_777 = arith.select %and3A_775, %add3A_776, %rem3A_767 : i32
      %add3A_778 = arith.addi %add3A_761, %select_n3A_777 : i32
      %get3A_779 = arith.index_cast %add3A_699 : i32 to index
      %get3A_780 = tpu.vector_load %arg7[%get3A_779] {strides = array<i32>} : memref<2560xi32, #tpu.memory_space<vmem>>, vector<16xi32>,
      %get3A_781 = vector.shape_cast %get3A_780 : vector<16xi32> to vector<16xi32>
      %shift_right_arithmetic3A_782 = arith.constant 3 : i32
      %shift_right_arithmetic3A_783 = vector.broadcast %shift_right_arithmetic3A_782 : i32 to vector<16xi32>
      %shift_right_arithmetic3A_784 = arith.shrsi %get3A_781, %shift_right_arithmetic3A_783 : vector<16xi32>
      %mul3A_785 = arith.constant 32768 : i32
      %mul3A_786 = vector.broadcast %mul3A_785 : i32 to vector<16xi32>
      %mul3A_787 = arith.muli %shift_right_arithmetic3A_784, %mul3A_786 : vector<16xi32>
      %add3A_788 = vector.broadcast %add3A_778 : i32 to vector<16xi32>
      %add3A_789 = arith.addi %add3A_788, %mul3A_787 : vector<16xi32>
      %and3A_790 = arith.constant 7 : i32
      %and3A_791 = vector.broadcast %and3A_790 : i32 to vector<16xi32>
      %and3A_792 = arith.andi %get3A_781, %and3A_791 : vector<16xi32>
      %mul3A_793 = arith.constant 128 : i32
      %mul3A_794 = vector.broadcast %mul3A_793 : i32 to vector<16xi32>
      %mul3A_795 = arith.muli %and3A_792, %mul3A_794 : vector<16xi32>
      %add3A_796 = arith.addi %add3A_789, %mul3A_795 : vector<16xi32>
      %add3A_797 = arith.addi %add3A_796, %iota3A : vector<16xi32>
      %swap3A_798 = arith.index_cast %scan3A_599 : i32 to index
      %swap3A_799 = arith.constant 16 : index
      %swap3A_800 = tpu.vector_load %arg8[%swap3A_798, %swap3A_799] {strides = array<i32>} : memref<20x128xi32, #tpu.memory_space<vmem>>, vector<1x16xi32>,
      %swap3A_801 = vector.shape_cast %swap3A_800 : vector<1x16xi32> to vector<16xi32>
      %swap3A_802 = vector.shape_cast %add3A_797 : vector<16xi32> to vector<1x16xi32>
      tpu.vector_store %arg8[%swap3A_798, %swap3A_799], %swap3A_802 {strides = array<i32>} : memref<20x128xi32, #tpu.memory_space<vmem>>, vector<1x16xi32>,
      %mul3A_803 = arith.constant 128 : i32
      %mul3A_804 = arith.muli %scan3A_599, %mul3A_803 : i32
      %add3A_805 = arith.constant 32 : i32
      %add3A_806 = arith.addi %mul3A_804, %add3A_805 : i32
      %jit3A_807 = arith.constant 256 : i32
      %div3A_808 = arith.divsi %add3A_806, %jit3A_807 : i32
      %sign3A_809 = arith.constant 0 : i32
      %sign3A_810 = arith.cmpi sgt, %add3A_806, %sign3A_809 : i32
      %sign3A_811 = arith.extui %sign3A_810 : i1 to i32
      %sign3A_812 = arith.constant 0 : i32
      %sign3A_813 = arith.cmpi slt, %add3A_806, %sign3A_812 : i32
      %sign3A_814 = arith.extui %sign3A_813 : i1 to i32
      %sign3A_815 = arith.subi %sign3A_811, %sign3A_814 : i32
      %sign3A_816 = arith.constant 0 : i32
      %sign3A_817 = arith.cmpi sgt, %jit3A_807, %sign3A_816 : i32
      %sign3A_818 = arith.extui %sign3A_817 : i1 to i32
      %sign3A_819 = arith.constant 0 : i32
      %sign3A_820 = arith.cmpi slt, %jit3A_807, %sign3A_819 : i32
      %sign3A_821 = arith.extui %sign3A_820 : i1 to i32
      %sign3A_822 = arith.subi %sign3A_818, %sign3A_821 : i32
      %ne3A_823 = arith.cmpi ne, %sign3A_815, %sign3A_822 : i32
      %rem3A_824 = arith.remsi %add3A_806, %jit3A_807 : i32
      %ne3A_825 = arith.constant 0 : i32
      %ne3A_826 = arith.cmpi ne, %rem3A_824, %ne3A_825 : i32
      %and3A_827 = arith.andi %ne3A_823, %ne3A_826 : i1
      %sub3A_828 = arith.constant 1 : i32
      %sub3A_829 = arith.subi %div3A_808, %sub3A_828 : i32
      %select_n3A_830 = arith.select %and3A_827, %sub3A_829, %div3A_808 : i32
      %mul3A_831 = arith.constant 256 : i32
      %mul3A_832 = arith.muli %select_n3A_830, %mul3A_831 : i32
      %sub3A_833 = arith.subi %add3A_806, %mul3A_832 : i32
      %mul3A_834 = arith.constant 2 : i32
      %mul3A_835 = arith.muli %arg1, %mul3A_834 : i32
      %jit3A_836 = arith.constant 128 : i32
      %div3A_837 = arith.divsi %sub3A_833, %jit3A_836 : i32
      %sign3A_838 = arith.constant 0 : i32
      %sign3A_839 = arith.cmpi sgt, %sub3A_833, %sign3A_838 : i32
      %sign3A_840 = arith.extui %sign3A_839 : i1 to i32
      %sign3A_841 = arith.constant 0 : i32
      %sign3A_842 = arith.cmpi slt, %sub3A_833, %sign3A_841 : i32
      %sign3A_843 = arith.extui %sign3A_842 : i1 to i32
      %sign3A_844 = arith.subi %sign3A_840, %sign3A_843 : i32
      %sign3A_845 = arith.constant 0 : i32
      %sign3A_846 = arith.cmpi sgt, %jit3A_836, %sign3A_845 : i32
      %sign3A_847 = arith.extui %sign3A_846 : i1 to i32
      %sign3A_848 = arith.constant 0 : i32
      %sign3A_849 = arith.cmpi slt, %jit3A_836, %sign3A_848 : i32
      %sign3A_850 = arith.extui %sign3A_849 : i1 to i32
      %sign3A_851 = arith.subi %sign3A_847, %sign3A_850 : i32
      %ne3A_852 = arith.cmpi ne, %sign3A_844, %sign3A_851 : i32
      %rem3A_853 = arith.remsi %sub3A_833, %jit3A_836 : i32
      %ne3A_854 = arith.constant 0 : i32
      %ne3A_855 = arith.cmpi ne, %rem3A_853, %ne3A_854 : i32
      %and3A_856 = arith.andi %ne3A_852, %ne3A_855 : i1
      %sub3A_857 = arith.constant 1 : i32
      %sub3A_858 = arith.subi %div3A_837, %sub3A_857 : i32
      %select_n3A_859 = arith.select %and3A_856, %sub3A_858, %div3A_837 : i32
      %add3A_860 = arith.addi %mul3A_835, %select_n3A_859 : i32
      %mul3A_861 = arith.constant 10 : i32
      %mul3A_862 = arith.muli %arg0, %mul3A_861 : i32
      %add3A_863 = arith.addi %mul3A_862, %select_n3A_830 : i32
      %mul3A_864 = arith.constant 4096000 : i32
      %mul3A_865 = arith.muli %add3A_863, %mul3A_864 : i32
      %mul3A_866 = arith.constant 1024 : i32
      %mul3A_867 = arith.muli %add3A_860, %mul3A_866 : i32
      %add3A_868 = arith.addi %mul3A_865, %mul3A_867 : i32
      %jit3A_869 = arith.constant 128 : i32
      %eq3A_870 = arith.constant 0 : i32
      %eq3A_871 = arith.cmpi eq, %jit3A_869, %eq3A_870 : i32
      %jit3A_872 = arith.constant 1 : i32
      %select_n3A_873 = arith.select %eq3A_871, %jit3A_872, %jit3A_869 : i32
      %rem3A_874 = arith.remsi %sub3A_833, %select_n3A_873 : i32
      %ne3A_875 = arith.constant 0 : i32
      %ne3A_876 = arith.cmpi ne, %rem3A_874, %ne3A_875 : i32
      %lt3A_877 = arith.constant 0 : i32
      %lt3A_878 = arith.cmpi slt, %rem3A_874, %lt3A_877 : i32
      %lt3A_879 = arith.constant 0 : i32
      %lt3A_880 = arith.cmpi slt, %select_n3A_873, %lt3A_879 : i32
      %ne3A_881 = arith.xori %lt3A_878, %lt3A_880 : i1
      %and3A_882 = arith.andi %ne3A_881, %ne3A_876 : i1
      %add3A_883 = arith.addi %rem3A_874, %select_n3A_873 : i32
      %select_n3A_884 = arith.select %and3A_882, %add3A_883, %rem3A_874 : i32
      %add3A_885 = arith.addi %add3A_868, %select_n3A_884 : i32
      %get3A_886 = arith.index_cast %add3A_806 : i32 to index
      %get3A_887 = tpu.vector_load %arg7[%get3A_886] {strides = array<i32>} : memref<2560xi32, #tpu.memory_space<vmem>>, vector<16xi32>,
      %get3A_888 = vector.shape_cast %get3A_887 : vector<16xi32> to vector<16xi32>
      %shift_right_arithmetic3A_889 = arith.constant 3 : i32
      %shift_right_arithmetic3A_890 = vector.broadcast %shift_right_arithmetic3A_889 : i32 to vector<16xi32>
      %shift_right_arithmetic3A_891 = arith.shrsi %get3A_888, %shift_right_arithmetic3A_890 : vector<16xi32>
      %mul3A_892 = arith.constant 32768 : i32
      %mul3A_893 = vector.broadcast %mul3A_892 : i32 to vector<16xi32>
      %mul3A_894 = arith.muli %shift_right_arithmetic3A_891, %mul3A_893 : vector<16xi32>
      %add3A_895 = vector.broadcast %add3A_885 : i32 to vector<16xi32>
      %add3A_896 = arith.addi %add3A_895, %mul3A_894 : vector<16xi32>
      %and3A_897 = arith.constant 7 : i32
      %and3A_898 = vector.broadcast %and3A_897 : i32 to vector<16xi32>
      %and3A_899 = arith.andi %get3A_888, %and3A_898 : vector<16xi32>
      %mul3A_900 = arith.constant 128 : i32
      %mul3A_901 = vector.broadcast %mul3A_900 : i32 to vector<16xi32>
      %mul3A_902 = arith.muli %and3A_899, %mul3A_901 : vector<16xi32>
      %add3A_903 = arith.addi %add3A_896, %mul3A_902 : vector<16xi32>
      %add3A_904 = arith.addi %add3A_903, %iota3A : vector<16xi32>
      %swap3A_905 = arith.index_cast %scan3A_599 : i32 to index
      %swap3A_906 = arith.constant 32 : index
      %swap3A_907 = tpu.vector_load %arg8[%swap3A_905, %swap3A_906] {strides = array<i32>} : memref<20x128xi32, #tpu.memory_space<vmem>>, vector<1x16xi32>,
      %swap3A_908 = vector.shape_cast %swap3A_907 : vector<1x16xi32> to vector<16xi32>
      %swap3A_909 = vector.shape_cast %add3A_904 : vector<16xi32> to vector<1x16xi32>
      tpu.vector_store %arg8[%swap3A_905, %swap3A_906], %swap3A_909 {strides = array<i32>} : memref<20x128xi32, #tpu.memory_space<vmem>>, vector<1x16xi32>,
      %mul3A_910 = arith.constant 128 : i32
      %mul3A_911 = arith.muli %scan3A_599, %mul3A_910 : i32
      %add3A_912 = arith.constant 48 : i32
      %add3A_913 = arith.addi %mul3A_911, %add3A_912 : i32
      %jit3A_914 = arith.constant 256 : i32
      %div3A_915 = arith.divsi %add3A_913, %jit3A_914 : i32
      %sign3A_916 = arith.constant 0 : i32
      %sign3A_917 = arith.cmpi sgt, %add3A_913, %sign3A_916 : i32
      %sign3A_918 = arith.extui %sign3A_917 : i1 to i32
      %sign3A_919 = arith.constant 0 : i32
      %sign3A_920 = arith.cmpi slt, %add3A_913, %sign3A_919 : i32
      %sign3A_921 = arith.extui %sign3A_920 : i1 to i32
      %sign3A_922 = arith.subi %sign3A_918, %sign3A_921 : i32
      %sign3A_923 = arith.constant 0 : i32
      %sign3A_924 = arith.cmpi sgt, %jit3A_914, %sign3A_923 : i32
      %sign3A_925 = arith.extui %sign3A_924 : i1 to i32
      %sign3A_926 = arith.constant 0 : i32
      %sign3A_927 = arith.cmpi slt, %jit3A_914, %sign3A_926 : i32
      %sign3A_928 = arith.extui %sign3A_927 : i1 to i32
      %sign3A_929 = arith.subi %sign3A_925, %sign3A_928 : i32
      %ne3A_930 = arith.cmpi ne, %sign3A_922, %sign3A_929 : i32
      %rem3A_931 = arith.remsi %add3A_913, %jit3A_914 : i32
      %ne3A_932 = arith.constant 0 : i32
      %ne3A_933 = arith.cmpi ne, %rem3A_931, %ne3A_932 : i32
      %and3A_934 = arith.andi %ne3A_930, %ne3A_933 : i1
      %sub3A_935 = arith.constant 1 : i32
      %sub3A_936 = arith.subi %div3A_915, %sub3A_935 : i32
      %select_n3A_937 = arith.select %and3A_934, %sub3A_936, %div3A_915 : i32
      %mul3A_938 = arith.constant 256 : i32
      %mul3A_939 = arith.muli %select_n3A_937, %mul3A_938 : i32
      %sub3A_940 = arith.subi %add3A_913, %mul3A_939 : i32
      %mul3A_941 = arith.constant 2 : i32
      %mul3A_942 = arith.muli %arg1, %mul3A_941 : i32
      %jit3A_943 = arith.constant 128 : i32
      %div3A_944 = arith.divsi %sub3A_940, %jit3A_943 : i32
      %sign3A_945 = arith.constant 0 : i32
      %sign3A_946 = arith.cmpi sgt, %sub3A_940, %sign3A_945 : i32
      %sign3A_947 = arith.extui %sign3A_946 : i1 to i32
      %sign3A_948 = arith.constant 0 : i32
      %sign3A_949 = arith.cmpi slt, %sub3A_940, %sign3A_948 : i32
      %sign3A_950 = arith.extui %sign3A_949 : i1 to i32
      %sign3A_951 = arith.subi %sign3A_947, %sign3A_950 : i32
      %sign3A_952 = arith.constant 0 : i32
      %sign3A_953 = arith.cmpi sgt, %jit3A_943, %sign3A_952 : i32
      %sign3A_954 = arith.extui %sign3A_953 : i1 to i32
      %sign3A_955 = arith.constant 0 : i32
      %sign3A_956 = arith.cmpi slt, %jit3A_943, %sign3A_955 : i32
      %sign3A_957 = arith.extui %sign3A_956 : i1 to i32
      %sign3A_958 = arith.subi %sign3A_954, %sign3A_957 : i32
      %ne3A_959 = arith.cmpi ne, %sign3A_951, %sign3A_958 : i32
      %rem3A_960 = arith.remsi %sub3A_940, %jit3A_943 : i32
      %ne3A_961 = arith.constant 0 : i32
      %ne3A_962 = arith.cmpi ne, %rem3A_960, %ne3A_961 : i32
      %and3A_963 = arith.andi %ne3A_959, %ne3A_962 : i1
      %sub3A_964 = arith.constant 1 : i32
      %sub3A_965 = arith.subi %div3A_944, %sub3A_964 : i32
      %select_n3A_966 = arith.select %and3A_963, %sub3A_965, %div3A_944 : i32
      %add3A_967 = arith.addi %mul3A_942, %select_n3A_966 : i32
      %mul3A_968 = arith.constant 10 : i32
      %mul3A_969 = arith.muli %arg0, %mul3A_968 : i32
      %add3A_970 = arith.addi %mul3A_969, %select_n3A_937 : i32
      %mul3A_971 = arith.constant 4096000 : i32
      %mul3A_972 = arith.muli %add3A_970, %mul3A_971 : i32
      %mul3A_973 = arith.constant 1024 : i32
      %mul3A_974 = arith.muli %add3A_967, %mul3A_973 : i32
      %add3A_975 = arith.addi %mul3A_972, %mul3A_974 : i32
      %jit3A_976 = arith.constant 128 : i32
      %eq3A_977 = arith.constant 0 : i32
      %eq3A_978 = arith.cmpi eq, %jit3A_976, %eq3A_977 : i32
      %jit3A_979 = arith.constant 1 : i32
      %select_n3A_980 = arith.select %eq3A_978, %jit3A_979, %jit3A_976 : i32
      %rem3A_981 = arith.remsi %sub3A_940, %select_n3A_980 : i32
      %ne3A_982 = arith.constant 0 : i32
      %ne3A_983 = arith.cmpi ne, %rem3A_981, %ne3A_982 : i32
      %lt3A_984 = arith.constant 0 : i32
      %lt3A_985 = arith.cmpi slt, %rem3A_981, %lt3A_984 : i32
      %lt3A_986 = arith.constant 0 : i32
      %lt3A_987 = arith.cmpi slt, %select_n3A_980, %lt3A_986 : i32
      %ne3A_988 = arith.xori %lt3A_985, %lt3A_987 : i1
      %and3A_989 = arith.andi %ne3A_988, %ne3A_983 : i1
      %add3A_990 = arith.addi %rem3A_981, %select_n3A_980 : i32
      %select_n3A_991 = arith.select %and3A_989, %add3A_990, %rem3A_981 : i32
      %add3A_992 = arith.addi %add3A_975, %select_n3A_991 : i32
      %get3A_993 = arith.index_cast %add3A_913 : i32 to index
      %get3A_994 = tpu.vector_load %arg7[%get3A_993] {strides = array<i32>} : memref<2560xi32, #tpu.memory_space<vmem>>, vector<16xi32>,
      %get3A_995 = vector.shape_cast %get3A_994 : vector<16xi32> to vector<16xi32>
      %shift_right_arithmetic3A_996 = arith.constant 3 : i32
      %shift_right_arithmetic3A_997 = vector.broadcast %shift_right_arithmetic3A_996 : i32 to vector<16xi32>
      %shift_right_arithmetic3A_998 = arith.shrsi %get3A_995, %shift_right_arithmetic3A_997 : vector<16xi32>
      %mul3A_999 = arith.constant 32768 : i32
      %mul3A_1000 = vector.broadcast %mul3A_999 : i32 to vector<16xi32>
      %mul3A_1001 = arith.muli %shift_right_arithmetic3A_998, %mul3A_1000 : vector<16xi32>
      %add3A_1002 = vector.broadcast %add3A_992 : i32 to vector<16xi32>
      %add3A_1003 = arith.addi %add3A_1002, %mul3A_1001 : vector<16xi32>
      %and3A_1004 = arith.constant 7 : i32
      %and3A_1005 = vector.broadcast %and3A_1004 : i32 to vector<16xi32>
      %and3A_1006 = arith.andi %get3A_995, %and3A_1005 : vector<16xi32>
      %mul3A_1007 = arith.constant 128 : i32
      %mul3A_1008 = vector.broadcast %mul3A_1007 : i32 to vector<16xi32>
      %mul3A_1009 = arith.muli %and3A_1006, %mul3A_1008 : vector<16xi32>
      %add3A_1010 = arith.addi %add3A_1003, %mul3A_1009 : vector<16xi32>
      %add3A_1011 = arith.addi %add3A_1010, %iota3A : vector<16xi32>
      %swap3A_1012 = arith.index_cast %scan3A_599 : i32 to index
      %swap3A_1013 = arith.constant 48 : index
      %swap3A_1014 = tpu.vector_load %arg8[%swap3A_1012, %swap3A_1013] {strides = array<i32>} : memref<20x128xi32, #tpu.memory_space<vmem>>, vector<1x16xi32>,
      %swap3A_1015 = vector.shape_cast %swap3A_1014 : vector<1x16xi32> to vector<16xi32>
      %swap3A_1016 = vector.shape_cast %add3A_1011 : vector<16xi32> to vector<1x16xi32>
      tpu.vector_store %arg8[%swap3A_1012, %swap3A_1013], %swap3A_1016 {strides = array<i32>} : memref<20x128xi32, #tpu.memory_space<vmem>>, vector<1x16xi32>,
      %mul3A_1017 = arith.constant 128 : i32
      %mul3A_1018 = arith.muli %scan3A_599, %mul3A_1017 : i32
      %add3A_1019 = arith.constant 64 : i32
      %add3A_1020 = arith.addi %mul3A_1018, %add3A_1019 : i32
      %jit3A_1021 = arith.constant 256 : i32
      %div3A_1022 = arith.divsi %add3A_1020, %jit3A_1021 : i32
      %sign3A_1023 = arith.constant 0 : i32
      %sign3A_1024 = arith.cmpi sgt, %add3A_1020, %sign3A_1023 : i32
      %sign3A_1025 = arith.extui %sign3A_1024 : i1 to i32
      %sign3A_1026 = arith.constant 0 : i32
      %sign3A_1027 = arith.cmpi slt, %add3A_1020, %sign3A_1026 : i32
      %sign3A_1028 = arith.extui %sign3A_1027 : i1 to i32
      %sign3A_1029 = arith.subi %sign3A_1025, %sign3A_1028 : i32
      %sign3A_1030 = arith.constant 0 : i32
      %sign3A_1031 = arith.cmpi sgt, %jit3A_1021, %sign3A_1030 : i32
      %sign3A_1032 = arith.extui %sign3A_1031 : i1 to i32
      %sign3A_1033 = arith.constant 0 : i32
      %sign3A_1034 = arith.cmpi slt, %jit3A_1021, %sign3A_1033 : i32
      %sign3A_1035 = arith.extui %sign3A_1034 : i1 to i32
      %sign3A_1036 = arith.subi %sign3A_1032, %sign3A_1035 : i32
      %ne3A_1037 = arith.cmpi ne, %sign3A_1029, %sign3A_1036 : i32
      %rem3A_1038 = arith.remsi %add3A_1020, %jit3A_1021 : i32
      %ne3A_1039 = arith.constant 0 : i32
      %ne3A_1040 = arith.cmpi ne, %rem3A_1038, %ne3A_1039 : i32
      %and3A_1041 = arith.andi %ne3A_1037, %ne3A_1040 : i1
      %sub3A_1042 = arith.constant 1 : i32
      %sub3A_1043 = arith.subi %div3A_1022, %sub3A_1042 : i32
      %select_n3A_1044 = arith.select %and3A_1041, %sub3A_1043, %div3A_1022 : i32
      %mul3A_1045 = arith.constant 256 : i32
      %mul3A_1046 = arith.muli %select_n3A_1044, %mul3A_1045 : i32
      %sub3A_1047 = arith.subi %add3A_1020, %mul3A_1046 : i32
      %mul3A_1048 = arith.constant 2 : i32
      %mul3A_1049 = arith.muli %arg1, %mul3A_1048 : i32
      %jit3A_1050 = arith.constant 128 : i32
      %div3A_1051 = arith.divsi %sub3A_1047, %jit3A_1050 : i32
      %sign3A_1052 = arith.constant 0 : i32
      %sign3A_1053 = arith.cmpi sgt, %sub3A_1047, %sign3A_1052 : i32
      %sign3A_1054 = arith.extui %sign3A_1053 : i1 to i32
      %sign3A_1055 = arith.constant 0 : i32
      %sign3A_1056 = arith.cmpi slt, %sub3A_1047, %sign3A_1055 : i32
      %sign3A_1057 = arith.extui %sign3A_1056 : i1 to i32
      %sign3A_1058 = arith.subi %sign3A_1054, %sign3A_1057 : i32
      %sign3A_1059 = arith.constant 0 : i32
      %sign3A_1060 = arith.cmpi sgt, %jit3A_1050, %sign3A_1059 : i32
      %sign3A_1061 = arith.extui %sign3A_1060 : i1 to i32
      %sign3A_1062 = arith.constant 0 : i32
      %sign3A_1063 = arith.cmpi slt, %jit3A_1050, %sign3A_1062 : i32
      %sign3A_1064 = arith.extui %sign3A_1063 : i1 to i32
      %sign3A_1065 = arith.subi %sign3A_1061, %sign3A_1064 : i32
      %ne3A_1066 = arith.cmpi ne, %sign3A_1058, %sign3A_1065 : i32
      %rem3A_1067 = arith.remsi %sub3A_1047, %jit3A_1050 : i32
      %ne3A_1068 = arith.constant 0 : i32
      %ne3A_1069 = arith.cmpi ne, %rem3A_1067, %ne3A_1068 : i32
      %and3A_1070 = arith.andi %ne3A_1066, %ne3A_1069 : i1
      %sub3A_1071 = arith.constant 1 : i32
      %sub3A_1072 = arith.subi %div3A_1051, %sub3A_1071 : i32
      %select_n3A_1073 = arith.select %and3A_1070, %sub3A_1072, %div3A_1051 : i32
      %add3A_1074 = arith.addi %mul3A_1049, %select_n3A_1073 : i32
      %mul3A_1075 = arith.constant 10 : i32
      %mul3A_1076 = arith.muli %arg0, %mul3A_1075 : i32
      %add3A_1077 = arith.addi %mul3A_1076, %select_n3A_1044 : i32
      %mul3A_1078 = arith.constant 4096000 : i32
      %mul3A_1079 = arith.muli %add3A_1077, %mul3A_1078 : i32
      %mul3A_1080 = arith.constant 1024 : i32
      %mul3A_1081 = arith.muli %add3A_1074, %mul3A_1080 : i32
      %add3A_1082 = arith.addi %mul3A_1079, %mul3A_1081 : i32
      %jit3A_1083 = arith.constant 128 : i32
      %eq3A_1084 = arith.constant 0 : i32
      %eq3A_1085 = arith.cmpi eq, %jit3A_1083, %eq3A_1084 : i32
      %jit3A_1086 = arith.constant 1 : i32
      %select_n3A_1087 = arith.select %eq3A_1085, %jit3A_1086, %jit3A_1083 : i32
      %rem3A_1088 = arith.remsi %sub3A_1047, %select_n3A_1087 : i32
      %ne3A_1089 = arith.constant 0 : i32
      %ne3A_1090 = arith.cmpi ne, %rem3A_1088, %ne3A_1089 : i32
      %lt3A_1091 = arith.constant 0 : i32
      %lt3A_1092 = arith.cmpi slt, %rem3A_1088, %lt3A_1091 : i32
      %lt3A_1093 = arith.constant 0 : i32
      %lt3A_1094 = arith.cmpi slt, %select_n3A_1087, %lt3A_1093 : i32
      %ne3A_1095 = arith.xori %lt3A_1092, %lt3A_1094 : i1
      %and3A_1096 = arith.andi %ne3A_1095, %ne3A_1090 : i1
      %add3A_1097 = arith.addi %rem3A_1088, %select_n3A_1087 : i32
      %select_n3A_1098 = arith.select %and3A_1096, %add3A_1097, %rem3A_1088 : i32
      %add3A_1099 = arith.addi %add3A_1082, %select_n3A_1098 : i32
      %get3A_1100 = arith.index_cast %add3A_1020 : i32 to index
      %get3A_1101 = tpu.vector_load %arg7[%get3A_1100] {strides = array<i32>} : memref<2560xi32, #tpu.memory_space<vmem>>, vector<16xi32>,
      %get3A_1102 = vector.shape_cast %get3A_1101 : vector<16xi32> to vector<16xi32>
      %shift_right_arithmetic3A_1103 = arith.constant 3 : i32
      %shift_right_arithmetic3A_1104 = vector.broadcast %shift_right_arithmetic3A_1103 : i32 to vector<16xi32>
      %shift_right_arithmetic3A_1105 = arith.shrsi %get3A_1102, %shift_right_arithmetic3A_1104 : vector<16xi32>
      %mul3A_1106 = arith.constant 32768 : i32
      %mul3A_1107 = vector.broadcast %mul3A_1106 : i32 to vector<16xi32>
      %mul3A_1108 = arith.muli %shift_right_arithmetic3A_1105, %mul3A_1107 : vector<16xi32>
      %add3A_1109 = vector.broadcast %add3A_1099 : i32 to vector<16xi32>
      %add3A_1110 = arith.addi %add3A_1109, %mul3A_1108 : vector<16xi32>
      %and3A_1111 = arith.constant 7 : i32
      %and3A_1112 = vector.broadcast %and3A_1111 : i32 to vector<16xi32>
      %and3A_1113 = arith.andi %get3A_1102, %and3A_1112 : vector<16xi32>
      %mul3A_1114 = arith.constant 128 : i32
      %mul3A_1115 = vector.broadcast %mul3A_1114 : i32 to vector<16xi32>
      %mul3A_1116 = arith.muli %and3A_1113, %mul3A_1115 : vector<16xi32>
      %add3A_1117 = arith.addi %add3A_1110, %mul3A_1116 : vector<16xi32>
      %add3A_1118 = arith.addi %add3A_1117, %iota3A : vector<16xi32>
      %swap3A_1119 = arith.index_cast %scan3A_599 : i32 to index
      %swap3A_1120 = arith.constant 64 : index
      %swap3A_1121 = tpu.vector_load %arg8[%swap3A_1119, %swap3A_1120] {strides = array<i32>} : memref<20x128xi32, #tpu.memory_space<vmem>>, vector<1x16xi32>,
      %swap3A_1122 = vector.shape_cast %swap3A_1121 : vector<1x16xi32> to vector<16xi32>
      %swap3A_1123 = vector.shape_cast %add3A_1118 : vector<16xi32> to vector<1x16xi32>
      tpu.vector_store %arg8[%swap3A_1119, %swap3A_1120], %swap3A_1123 {strides = array<i32>} : memref<20x128xi32, #tpu.memory_space<vmem>>, vector<1x16xi32>,
      %mul3A_1124 = arith.constant 128 : i32
      %mul3A_1125 = arith.muli %scan3A_599, %mul3A_1124 : i32
      %add3A_1126 = arith.constant 80 : i32
      %add3A_1127 = arith.addi %mul3A_1125, %add3A_1126 : i32
      %jit3A_1128 = arith.constant 256 : i32
      %div3A_1129 = arith.divsi %add3A_1127, %jit3A_1128 : i32
      %sign3A_1130 = arith.constant 0 : i32
      %sign3A_1131 = arith.cmpi sgt, %add3A_1127, %sign3A_1130 : i32
      %sign3A_1132 = arith.extui %sign3A_1131 : i1 to i32
      %sign3A_1133 = arith.constant 0 : i32
      %sign3A_1134 = arith.cmpi slt, %add3A_1127, %sign3A_1133 : i32
      %sign3A_1135 = arith.extui %sign3A_1134 : i1 to i32
      %sign3A_1136 = arith.subi %sign3A_1132, %sign3A_1135 : i32
      %sign3A_1137 = arith.constant 0 : i32
      %sign3A_1138 = arith.cmpi sgt, %jit3A_1128, %sign3A_1137 : i32
      %sign3A_1139 = arith.extui %sign3A_1138 : i1 to i32
      %sign3A_1140 = arith.constant 0 : i32
      %sign3A_1141 = arith.cmpi slt, %jit3A_1128, %sign3A_1140 : i32
      %sign3A_1142 = arith.extui %sign3A_1141 : i1 to i32
      %sign3A_1143 = arith.subi %sign3A_1139, %sign3A_1142 : i32
      %ne3A_1144 = arith.cmpi ne, %sign3A_1136, %sign3A_1143 : i32
      %rem3A_1145 = arith.remsi %add3A_1127, %jit3A_1128 : i32
      %ne3A_1146 = arith.constant 0 : i32
      %ne3A_1147 = arith.cmpi ne, %rem3A_1145, %ne3A_1146 : i32
      %and3A_1148 = arith.andi %ne3A_1144, %ne3A_1147 : i1
      %sub3A_1149 = arith.constant 1 : i32
      %sub3A_1150 = arith.subi %div3A_1129, %sub3A_1149 : i32
      %select_n3A_1151 = arith.select %and3A_1148, %sub3A_1150, %div3A_1129 : i32
      %mul3A_1152 = arith.constant 256 : i32
      %mul3A_1153 = arith.muli %select_n3A_1151, %mul3A_1152 : i32
      %sub3A_1154 = arith.subi %add3A_1127, %mul3A_1153 : i32
      %mul3A_1155 = arith.constant 2 : i32
      %mul3A_1156 = arith.muli %arg1, %mul3A_1155 : i32
      %jit3A_1157 = arith.constant 128 : i32
      %div3A_1158 = arith.divsi %sub3A_1154, %jit3A_1157 : i32
      %sign3A_1159 = arith.constant 0 : i32
      %sign3A_1160 = arith.cmpi sgt, %sub3A_1154, %sign3A_1159 : i32
      %sign3A_1161 = arith.extui %sign3A_1160 : i1 to i32
      %sign3A_1162 = arith.constant 0 : i32
      %sign3A_1163 = arith.cmpi slt, %sub3A_1154, %sign3A_1162 : i32
      %sign3A_1164 = arith.extui %sign3A_1163 : i1 to i32
      %sign3A_1165 = arith.subi %sign3A_1161, %sign3A_1164 : i32
      %sign3A_1166 = arith.constant 0 : i32
      %sign3A_1167 = arith.cmpi sgt, %jit3A_1157, %sign3A_1166 : i32
      %sign3A_1168 = arith.extui %sign3A_1167 : i1 to i32
      %sign3A_1169 = arith.constant 0 : i32
      %sign3A_1170 = arith.cmpi slt, %jit3A_1157, %sign3A_1169 : i32
      %sign3A_1171 = arith.extui %sign3A_1170 : i1 to i32
      %sign3A_1172 = arith.subi %sign3A_1168, %sign3A_1171 : i32
      %ne3A_1173 = arith.cmpi ne, %sign3A_1165, %sign3A_1172 : i32
      %rem3A_1174 = arith.remsi %sub3A_1154, %jit3A_1157 : i32
      %ne3A_1175 = arith.constant 0 : i32
      %ne3A_1176 = arith.cmpi ne, %rem3A_1174, %ne3A_1175 : i32
      %and3A_1177 = arith.andi %ne3A_1173, %ne3A_1176 : i1
      %sub3A_1178 = arith.constant 1 : i32
      %sub3A_1179 = arith.subi %div3A_1158, %sub3A_1178 : i32
      %select_n3A_1180 = arith.select %and3A_1177, %sub3A_1179, %div3A_1158 : i32
      %add3A_1181 = arith.addi %mul3A_1156, %select_n3A_1180 : i32
      %mul3A_1182 = arith.constant 10 : i32
      %mul3A_1183 = arith.muli %arg0, %mul3A_1182 : i32
      %add3A_1184 = arith.addi %mul3A_1183, %select_n3A_1151 : i32
      %mul3A_1185 = arith.constant 4096000 : i32
      %mul3A_1186 = arith.muli %add3A_1184, %mul3A_1185 : i32
      %mul3A_1187 = arith.constant 1024 : i32
      %mul3A_1188 = arith.muli %add3A_1181, %mul3A_1187 : i32
      %add3A_1189 = arith.addi %mul3A_1186, %mul3A_1188 : i32
      %jit3A_1190 = arith.constant 128 : i32
      %eq3A_1191 = arith.constant 0 : i32
      %eq3A_1192 = arith.cmpi eq, %jit3A_1190, %eq3A_1191 : i32
      %jit3A_1193 = arith.constant 1 : i32
      %select_n3A_1194 = arith.select %eq3A_1192, %jit3A_1193, %jit3A_1190 : i32
      %rem3A_1195 = arith.remsi %sub3A_1154, %select_n3A_1194 : i32
      %ne3A_1196 = arith.constant 0 : i32
      %ne3A_1197 = arith.cmpi ne, %rem3A_1195, %ne3A_1196 : i32
      %lt3A_1198 = arith.constant 0 : i32
      %lt3A_1199 = arith.cmpi slt, %rem3A_1195, %lt3A_1198 : i32
      %lt3A_1200 = arith.constant 0 : i32
      %lt3A_1201 = arith.cmpi slt, %select_n3A_1194, %lt3A_1200 : i32
      %ne3A_1202 = arith.xori %lt3A_1199, %lt3A_1201 : i1
      %and3A_1203 = arith.andi %ne3A_1202, %ne3A_1197 : i1
      %add3A_1204 = arith.addi %rem3A_1195, %select_n3A_1194 : i32
      %select_n3A_1205 = arith.select %and3A_1203, %add3A_1204, %rem3A_1195 : i32
      %add3A_1206 = arith.addi %add3A_1189, %select_n3A_1205 : i32
      %get3A_1207 = arith.index_cast %add3A_1127 : i32 to index
      %get3A_1208 = tpu.vector_load %arg7[%get3A_1207] {strides = array<i32>} : memref<2560xi32, #tpu.memory_space<vmem>>, vector<16xi32>,
      %get3A_1209 = vector.shape_cast %get3A_1208 : vector<16xi32> to vector<16xi32>
      %shift_right_arithmetic3A_1210 = arith.constant 3 : i32
      %shift_right_arithmetic3A_1211 = vector.broadcast %shift_right_arithmetic3A_1210 : i32 to vector<16xi32>
      %shift_right_arithmetic3A_1212 = arith.shrsi %get3A_1209, %shift_right_arithmetic3A_1211 : vector<16xi32>
      %mul3A_1213 = arith.constant 32768 : i32
      %mul3A_1214 = vector.broadcast %mul3A_1213 : i32 to vector<16xi32>
      %mul3A_1215 = arith.muli %shift_right_arithmetic3A_1212, %mul3A_1214 : vector<16xi32>
      %add3A_1216 = vector.broadcast %add3A_1206 : i32 to vector<16xi32>
      %add3A_1217 = arith.addi %add3A_1216, %mul3A_1215 : vector<16xi32>
      %and3A_1218 = arith.constant 7 : i32
      %and3A_1219 = vector.broadcast %and3A_1218 : i32 to vector<16xi32>
      %and3A_1220 = arith.andi %get3A_1209, %and3A_1219 : vector<16xi32>
      %mul3A_1221 = arith.constant 128 : i32
      %mul3A_1222 = vector.broadcast %mul3A_1221 : i32 to vector<16xi32>
      %mul3A_1223 = arith.muli %and3A_1220, %mul3A_1222 : vector<16xi32>
      %add3A_1224 = arith.addi %add3A_1217, %mul3A_1223 : vector<16xi32>
      %add3A_1225 = arith.addi %add3A_1224, %iota3A : vector<16xi32>
      %swap3A_1226 = arith.index_cast %scan3A_599 : i32 to index
      %swap3A_1227 = arith.constant 80 : index
      %swap3A_1228 = tpu.vector_load %arg8[%swap3A_1226, %swap3A_1227] {strides = array<i32>} : memref<20x128xi32, #tpu.memory_space<vmem>>, vector<1x16xi32>,
      %swap3A_1229 = vector.shape_cast %swap3A_1228 : vector<1x16xi32> to vector<16xi32>
      %swap3A_1230 = vector.shape_cast %add3A_1225 : vector<16xi32> to vector<1x16xi32>
      tpu.vector_store %arg8[%swap3A_1226, %swap3A_1227], %swap3A_1230 {strides = array<i32>} : memref<20x128xi32, #tpu.memory_space<vmem>>, vector<1x16xi32>,
      %mul3A_1231 = arith.constant 128 : i32
      %mul3A_1232 = arith.muli %scan3A_599, %mul3A_1231 : i32
      %add3A_1233 = arith.constant 96 : i32
      %add3A_1234 = arith.addi %mul3A_1232, %add3A_1233 : i32
      %jit3A_1235 = arith.constant 256 : i32
      %div3A_1236 = arith.divsi %add3A_1234, %jit3A_1235 : i32
      %sign3A_1237 = arith.constant 0 : i32
      %sign3A_1238 = arith.cmpi sgt, %add3A_1234, %sign3A_1237 : i32
      %sign3A_1239 = arith.extui %sign3A_1238 : i1 to i32
      %sign3A_1240 = arith.constant 0 : i32
      %sign3A_1241 = arith.cmpi slt, %add3A_1234, %sign3A_1240 : i32
      %sign3A_1242 = arith.extui %sign3A_1241 : i1 to i32
      %sign3A_1243 = arith.subi %sign3A_1239, %sign3A_1242 : i32
      %sign3A_1244 = arith.constant 0 : i32
      %sign3A_1245 = arith.cmpi sgt, %jit3A_1235, %sign3A_1244 : i32
      %sign3A_1246 = arith.extui %sign3A_1245 : i1 to i32
      %sign3A_1247 = arith.constant 0 : i32
      %sign3A_1248 = arith.cmpi slt, %jit3A_1235, %sign3A_1247 : i32
      %sign3A_1249 = arith.extui %sign3A_1248 : i1 to i32
      %sign3A_1250 = arith.subi %sign3A_1246, %sign3A_1249 : i32
      %ne3A_1251 = arith.cmpi ne, %sign3A_1243, %sign3A_1250 : i32
      %rem3A_1252 = arith.remsi %add3A_1234, %jit3A_1235 : i32
      %ne3A_1253 = arith.constant 0 : i32
      %ne3A_1254 = arith.cmpi ne, %rem3A_1252, %ne3A_1253 : i32
      %and3A_1255 = arith.andi %ne3A_1251, %ne3A_1254 : i1
      %sub3A_1256 = arith.constant 1 : i32
      %sub3A_1257 = arith.subi %div3A_1236, %sub3A_1256 : i32
      %select_n3A_1258 = arith.select %and3A_1255, %sub3A_1257, %div3A_1236 : i32
      %mul3A_1259 = arith.constant 256 : i32
      %mul3A_1260 = arith.muli %select_n3A_1258, %mul3A_1259 : i32
      %sub3A_1261 = arith.subi %add3A_1234, %mul3A_1260 : i32
      %mul3A_1262 = arith.constant 2 : i32
      %mul3A_1263 = arith.muli %arg1, %mul3A_1262 : i32
      %jit3A_1264 = arith.constant 128 : i32
      %div3A_1265 = arith.divsi %sub3A_1261, %jit3A_1264 : i32
      %sign3A_1266 = arith.constant 0 : i32
      %sign3A_1267 = arith.cmpi sgt, %sub3A_1261, %sign3A_1266 : i32
      %sign3A_1268 = arith.extui %sign3A_1267 : i1 to i32
      %sign3A_1269 = arith.constant 0 : i32
      %sign3A_1270 = arith.cmpi slt, %sub3A_1261, %sign3A_1269 : i32
      %sign3A_1271 = arith.extui %sign3A_1270 : i1 to i32
      %sign3A_1272 = arith.subi %sign3A_1268, %sign3A_1271 : i32
      %sign3A_1273 = arith.constant 0 : i32
      %sign3A_1274 = arith.cmpi sgt, %jit3A_1264, %sign3A_1273 : i32
      %sign3A_1275 = arith.extui %sign3A_1274 : i1 to i32
      %sign3A_1276 = arith.constant 0 : i32
      %sign3A_1277 = arith.cmpi slt, %jit3A_1264, %sign3A_1276 : i32
      %sign3A_1278 = arith.extui %sign3A_1277 : i1 to i32
      %sign3A_1279 = arith.subi %sign3A_1275, %sign3A_1278 : i32
      %ne3A_1280 = arith.cmpi ne, %sign3A_1272, %sign3A_1279 : i32
      %rem3A_1281 = arith.remsi %sub3A_1261, %jit3A_1264 : i32
      %ne3A_1282 = arith.constant 0 : i32
      %ne3A_1283 = arith.cmpi ne, %rem3A_1281, %ne3A_1282 : i32
      %and3A_1284 = arith.andi %ne3A_1280, %ne3A_1283 : i1
      %sub3A_1285 = arith.constant 1 : i32
      %sub3A_1286 = arith.subi %div3A_1265, %sub3A_1285 : i32
      %select_n3A_1287 = arith.select %and3A_1284, %sub3A_1286, %div3A_1265 : i32
      %add3A_1288 = arith.addi %mul3A_1263, %select_n3A_1287 : i32
      %mul3A_1289 = arith.constant 10 : i32
      %mul3A_1290 = arith.muli %arg0, %mul3A_1289 : i32
      %add3A_1291 = arith.addi %mul3A_1290, %select_n3A_1258 : i32
      %mul3A_1292 = arith.constant 4096000 : i32
      %mul3A_1293 = arith.muli %add3A_1291, %mul3A_1292 : i32
      %mul3A_1294 = arith.constant 1024 : i32
      %mul3A_1295 = arith.muli %add3A_1288, %mul3A_1294 : i32
      %add3A_1296 = arith.addi %mul3A_1293, %mul3A_1295 : i32
      %jit3A_1297 = arith.constant 128 : i32
      %eq3A_1298 = arith.constant 0 : i32
      %eq3A_1299 = arith.cmpi eq, %jit3A_1297, %eq3A_1298 : i32
      %jit3A_1300 = arith.constant 1 : i32
      %select_n3A_1301 = arith.select %eq3A_1299, %jit3A_1300, %jit3A_1297 : i32
      %rem3A_1302 = arith.remsi %sub3A_1261, %select_n3A_1301 : i32
      %ne3A_1303 = arith.constant 0 : i32
      %ne3A_1304 = arith.cmpi ne, %rem3A_1302, %ne3A_1303 : i32
      %lt3A_1305 = arith.constant 0 : i32
      %lt3A_1306 = arith.cmpi slt, %rem3A_1302, %lt3A_1305 : i32
      %lt3A_1307 = arith.constant 0 : i32
      %lt3A_1308 = arith.cmpi slt, %select_n3A_1301, %lt3A_1307 : i32
      %ne3A_1309 = arith.xori %lt3A_1306, %lt3A_1308 : i1
      %and3A_1310 = arith.andi %ne3A_1309, %ne3A_1304 : i1
      %add3A_1311 = arith.addi %rem3A_1302, %select_n3A_1301 : i32
      %select_n3A_1312 = arith.select %and3A_1310, %add3A_1311, %rem3A_1302 : i32
      %add3A_1313 = arith.addi %add3A_1296, %select_n3A_1312 : i32
      %get3A_1314 = arith.index_cast %add3A_1234 : i32 to index
      %get3A_1315 = tpu.vector_load %arg7[%get3A_1314] {strides = array<i32>} : memref<2560xi32, #tpu.memory_space<vmem>>, vector<16xi32>,
      %get3A_1316 = vector.shape_cast %get3A_1315 : vector<16xi32> to vector<16xi32>
      %shift_right_arithmetic3A_1317 = arith.constant 3 : i32
      %shift_right_arithmetic3A_1318 = vector.broadcast %shift_right_arithmetic3A_1317 : i32 to vector<16xi32>
      %shift_right_arithmetic3A_1319 = arith.shrsi %get3A_1316, %shift_right_arithmetic3A_1318 : vector<16xi32>
      %mul3A_1320 = arith.constant 32768 : i32
      %mul3A_1321 = vector.broadcast %mul3A_1320 : i32 to vector<16xi32>
      %mul3A_1322 = arith.muli %shift_right_arithmetic3A_1319, %mul3A_1321 : vector<16xi32>
      %add3A_1323 = vector.broadcast %add3A_1313 : i32 to vector<16xi32>
      %add3A_1324 = arith.addi %add3A_1323, %mul3A_1322 : vector<16xi32>
      %and3A_1325 = arith.constant 7 : i32
      %and3A_1326 = vector.broadcast %and3A_1325 : i32 to vector<16xi32>
      %and3A_1327 = arith.andi %get3A_1316, %and3A_1326 : vector<16xi32>
      %mul3A_1328 = arith.constant 128 : i32
      %mul3A_1329 = vector.broadcast %mul3A_1328 : i32 to vector<16xi32>
      %mul3A_1330 = arith.muli %and3A_1327, %mul3A_1329 : vector<16xi32>
      %add3A_1331 = arith.addi %add3A_1324, %mul3A_1330 : vector<16xi32>
      %add3A_1332 = arith.addi %add3A_1331, %iota3A : vector<16xi32>
      %swap3A_1333 = arith.index_cast %scan3A_599 : i32 to index
      %swap3A_1334 = arith.constant 96 : index
      %swap3A_1335 = tpu.vector_load %arg8[%swap3A_1333, %swap3A_1334] {strides = array<i32>} : memref<20x128xi32, #tpu.memory_space<vmem>>, vector<1x16xi32>,
      %swap3A_1336 = vector.shape_cast %swap3A_1335 : vector<1x16xi32> to vector<16xi32>
      %swap3A_1337 = vector.shape_cast %add3A_1332 : vector<16xi32> to vector<1x16xi32>
      tpu.vector_store %arg8[%swap3A_1333, %swap3A_1334], %swap3A_1337 {strides = array<i32>} : memref<20x128xi32, #tpu.memory_space<vmem>>, vector<1x16xi32>,
      %mul3A_1338 = arith.constant 128 : i32
      %mul3A_1339 = arith.muli %scan3A_599, %mul3A_1338 : i32
      %add3A_1340 = arith.constant 112 : i32
      %add3A_1341 = arith.addi %mul3A_1339, %add3A_1340 : i32
      %jit3A_1342 = arith.constant 256 : i32
      %div3A_1343 = arith.divsi %add3A_1341, %jit3A_1342 : i32
      %sign3A_1344 = arith.constant 0 : i32
      %sign3A_1345 = arith.cmpi sgt, %add3A_1341, %sign3A_1344 : i32
      %sign3A_1346 = arith.extui %sign3A_1345 : i1 to i32
      %sign3A_1347 = arith.constant 0 : i32
      %sign3A_1348 = arith.cmpi slt, %add3A_1341, %sign3A_1347 : i32
      %sign3A_1349 = arith.extui %sign3A_1348 : i1 to i32
      %sign3A_1350 = arith.subi %sign3A_1346, %sign3A_1349 : i32
      %sign3A_1351 = arith.constant 0 : i32
      %sign3A_1352 = arith.cmpi sgt, %jit3A_1342, %sign3A_1351 : i32
      %sign3A_1353 = arith.extui %sign3A_1352 : i1 to i32
      %sign3A_1354 = arith.constant 0 : i32
      %sign3A_1355 = arith.cmpi slt, %jit3A_1342, %sign3A_1354 : i32
      %sign3A_1356 = arith.extui %sign3A_1355 : i1 to i32
      %sign3A_1357 = arith.subi %sign3A_1353, %sign3A_1356 : i32
      %ne3A_1358 = arith.cmpi ne, %sign3A_1350, %sign3A_1357 : i32
      %rem3A_1359 = arith.remsi %add3A_1341, %jit3A_1342 : i32
      %ne3A_1360 = arith.constant 0 : i32
      %ne3A_1361 = arith.cmpi ne, %rem3A_1359, %ne3A_1360 : i32
      %and3A_1362 = arith.andi %ne3A_1358, %ne3A_1361 : i1
      %sub3A_1363 = arith.constant 1 : i32
      %sub3A_1364 = arith.subi %div3A_1343, %sub3A_1363 : i32
      %select_n3A_1365 = arith.select %and3A_1362, %sub3A_1364, %div3A_1343 : i32
      %mul3A_1366 = arith.constant 256 : i32
      %mul3A_1367 = arith.muli %select_n3A_1365, %mul3A_1366 : i32
      %sub3A_1368 = arith.subi %add3A_1341, %mul3A_1367 : i32
      %mul3A_1369 = arith.constant 2 : i32
      %mul3A_1370 = arith.muli %arg1, %mul3A_1369 : i32
      %jit3A_1371 = arith.constant 128 : i32
      %div3A_1372 = arith.divsi %sub3A_1368, %jit3A_1371 : i32
      %sign3A_1373 = arith.constant 0 : i32
      %sign3A_1374 = arith.cmpi sgt, %sub3A_1368, %sign3A_1373 : i32
      %sign3A_1375 = arith.extui %sign3A_1374 : i1 to i32
      %sign3A_1376 = arith.constant 0 : i32
      %sign3A_1377 = arith.cmpi slt, %sub3A_1368, %sign3A_1376 : i32
      %sign3A_1378 = arith.extui %sign3A_1377 : i1 to i32
      %sign3A_1379 = arith.subi %sign3A_1375, %sign3A_1378 : i32
      %sign3A_1380 = arith.constant 0 : i32
      %sign3A_1381 = arith.cmpi sgt, %jit3A_1371, %sign3A_1380 : i32
      %sign3A_1382 = arith.extui %sign3A_1381 : i1 to i32
      %sign3A_1383 = arith.constant 0 : i32
      %sign3A_1384 = arith.cmpi slt, %jit3A_1371, %sign3A_1383 : i32
      %sign3A_1385 = arith.extui %sign3A_1384 : i1 to i32
      %sign3A_1386 = arith.subi %sign3A_1382, %sign3A_1385 : i32
      %ne3A_1387 = arith.cmpi ne, %sign3A_1379, %sign3A_1386 : i32
      %rem3A_1388 = arith.remsi %sub3A_1368, %jit3A_1371 : i32
      %ne3A_1389 = arith.constant 0 : i32
      %ne3A_1390 = arith.cmpi ne, %rem3A_1388, %ne3A_1389 : i32
      %and3A_1391 = arith.andi %ne3A_1387, %ne3A_1390 : i1
      %sub3A_1392 = arith.constant 1 : i32
      %sub3A_1393 = arith.subi %div3A_1372, %sub3A_1392 : i32
      %select_n3A_1394 = arith.select %and3A_1391, %sub3A_1393, %div3A_1372 : i32
      %add3A_1395 = arith.addi %mul3A_1370, %select_n3A_1394 : i32
      %mul3A_1396 = arith.constant 10 : i32
      %mul3A_1397 = arith.muli %arg0, %mul3A_1396 : i32
      %add3A_1398 = arith.addi %mul3A_1397, %select_n3A_1365 : i32
      %mul3A_1399 = arith.constant 4096000 : i32
      %mul3A_1400 = arith.muli %add3A_1398, %mul3A_1399 : i32
      %mul3A_1401 = arith.constant 1024 : i32
      %mul3A_1402 = arith.muli %add3A_1395, %mul3A_1401 : i32
      %add3A_1403 = arith.addi %mul3A_1400, %mul3A_1402 : i32
      %jit3A_1404 = arith.constant 128 : i32
      %eq3A_1405 = arith.constant 0 : i32
      %eq3A_1406 = arith.cmpi eq, %jit3A_1404, %eq3A_1405 : i32
      %jit3A_1407 = arith.constant 1 : i32
      %select_n3A_1408 = arith.select %eq3A_1406, %jit3A_1407, %jit3A_1404 : i32
      %rem3A_1409 = arith.remsi %sub3A_1368, %select_n3A_1408 : i32
      %ne3A_1410 = arith.constant 0 : i32
      %ne3A_1411 = arith.cmpi ne, %rem3A_1409, %ne3A_1410 : i32
      %lt3A_1412 = arith.constant 0 : i32
      %lt3A_1413 = arith.cmpi slt, %rem3A_1409, %lt3A_1412 : i32
      %lt3A_1414 = arith.constant 0 : i32
      %lt3A_1415 = arith.cmpi slt, %select_n3A_1408, %lt3A_1414 : i32
      %ne3A_1416 = arith.xori %lt3A_1413, %lt3A_1415 : i1
      %and3A_1417 = arith.andi %ne3A_1416, %ne3A_1411 : i1
      %add3A_1418 = arith.addi %rem3A_1409, %select_n3A_1408 : i32
      %select_n3A_1419 = arith.select %and3A_1417, %add3A_1418, %rem3A_1409 : i32
      %add3A_1420 = arith.addi %add3A_1403, %select_n3A_1419 : i32
      %get3A_1421 = arith.index_cast %add3A_1341 : i32 to index
      %get3A_1422 = tpu.vector_load %arg7[%get3A_1421] {strides = array<i32>} : memref<2560xi32, #tpu.memory_space<vmem>>, vector<16xi32>,
      %get3A_1423 = vector.shape_cast %get3A_1422 : vector<16xi32> to vector<16xi32>
      %shift_right_arithmetic3A_1424 = arith.constant 3 : i32
      %shift_right_arithmetic3A_1425 = vector.broadcast %shift_right_arithmetic3A_1424 : i32 to vector<16xi32>
      %shift_right_arithmetic3A_1426 = arith.shrsi %get3A_1423, %shift_right_arithmetic3A_1425 : vector<16xi32>
      %mul3A_1427 = arith.constant 32768 : i32
      %mul3A_1428 = vector.broadcast %mul3A_1427 : i32 to vector<16xi32>
      %mul3A_1429 = arith.muli %shift_right_arithmetic3A_1426, %mul3A_1428 : vector<16xi32>
      %add3A_1430 = vector.broadcast %add3A_1420 : i32 to vector<16xi32>
      %add3A_1431 = arith.addi %add3A_1430, %mul3A_1429 : vector<16xi32>
      %and3A_1432 = arith.constant 7 : i32
      %and3A_1433 = vector.broadcast %and3A_1432 : i32 to vector<16xi32>
      %and3A_1434 = arith.andi %get3A_1423, %and3A_1433 : vector<16xi32>
      %mul3A_1435 = arith.constant 128 : i32
      %mul3A_1436 = vector.broadcast %mul3A_1435 : i32 to vector<16xi32>
      %mul3A_1437 = arith.muli %and3A_1434, %mul3A_1436 : vector<16xi32>
      %add3A_1438 = arith.addi %add3A_1431, %mul3A_1437 : vector<16xi32>
      %add3A_1439 = arith.addi %add3A_1438, %iota3A : vector<16xi32>
      %swap3A_1440 = arith.index_cast %scan3A_599 : i32 to index
      %swap3A_1441 = arith.constant 112 : index
      %swap3A_1442 = tpu.vector_load %arg8[%swap3A_1440, %swap3A_1441] {strides = array<i32>} : memref<20x128xi32, #tpu.memory_space<vmem>>, vector<1x16xi32>,
      %swap3A_1443 = vector.shape_cast %swap3A_1442 : vector<1x16xi32> to vector<16xi32>
      %swap3A_1444 = vector.shape_cast %add3A_1439 : vector<16xi32> to vector<1x16xi32>
      tpu.vector_store %arg8[%swap3A_1440, %swap3A_1441], %swap3A_1444 {strides = array<i32>} : memref<20x128xi32, #tpu.memory_space<vmem>>, vector<1x16xi32>,
    }
    %scan3A_236 = arith.constant 20 : i32
    %dma_wait3A = arith.constant 0 : i32
    %dma_wait3A_237 = tpu.memref_slice %arg4[%dma_wait3A] : memref<81920000xf32, #tpu.memory_space<hbm>> -> memref<640000xf32, #tpu.memory_space<hbm>>
    tpu.wait_dma2 semaphore(%arg10 : memref<!tpu.dma_semaphore, #tpu.memory_space<semaphore_mem>>) src(%arg5 : memref<640000xf32, #tpu.memory_space<vmem_shared>>) dst(%dma_wait3A_237 : memref<640000xf32, #tpu.memory_space<hbm>>)
    %dma_wait3A_238 = arith.constant 0 : i32
    %dma_wait3A_239 = tpu.memref_slice %arg4[%dma_wait3A_238] : memref<81920000xf32, #tpu.memory_space<hbm>> -> memref<64000xf32, #tpu.memory_space<hbm>>
    %dma_wait3A_240 = arith.constant 0 : i32
    %dma_wait3A_241 = tpu.memref_slice %arg4[%dma_wait3A_240] : memref<81920000xf32, #tpu.memory_space<hbm>> -> memref<64000xf32, #tpu.memory_space<hbm>>
    tpu.wait_dma2 semaphore(%arg10 : memref<!tpu.dma_semaphore, #tpu.memory_space<semaphore_mem>>) src(%arg6 : memref<64000xf32, #tpu.memory_space<vmem>>) dst(%dma_wait3A_241 : memref<64000xf32, #tpu.memory_space<hbm>>)
    %dma_wait3A_242 = arith.constant 0 : i32
    %dma_wait3A_243 = tpu.memref_slice %arg4[%dma_wait3A_242] : memref<81920000xf32, #tpu.memory_space<hbm>> -> memref<64000xf32, #tpu.memory_space<hbm>>
    %dma_wait3A_244 = arith.constant 0 : i32
    %dma_wait3A_245 = tpu.memref_slice %arg4[%dma_wait3A_244] : memref<81920000xf32, #tpu.memory_space<hbm>> -> memref<64000xf32, #tpu.memory_space<hbm>>
    tpu.wait_dma2 semaphore(%arg10 : memref<!tpu.dma_semaphore, #tpu.memory_space<semaphore_mem>>) src(%arg6 : memref<64000xf32, #tpu.memory_space<vmem>>) dst(%dma_wait3A_245 : memref<64000xf32, #tpu.memory_space<hbm>>)
    %dma_wait3A_246 = arith.constant 0 : i32
    %dma_wait3A_247 = tpu.memref_slice %arg4[%dma_wait3A_246] : memref<81920000xf32, #tpu.memory_space<hbm>> -> memref<64000xf32, #tpu.memory_space<hbm>>
    %dma_wait3A_248 = arith.constant 0 : i32
    %dma_wait3A_249 = tpu.memref_slice %arg4[%dma_wait3A_248] : memref<81920000xf32, #tpu.memory_space<hbm>> -> memref<64000xf32, #tpu.memory_space<hbm>>
    tpu.wait_dma2 semaphore(%arg10 : memref<!tpu.dma_semaphore, #tpu.memory_space<semaphore_mem>>) src(%arg6 : memref<64000xf32, #tpu.memory_space<vmem>>) dst(%dma_wait3A_249 : memref<64000xf32, #tpu.memory_space<hbm>>)
    %dma_wait3A_250 = arith.constant 0 : i32
    %dma_wait3A_251 = tpu.memref_slice %arg4[%dma_wait3A_250] : memref<81920000xf32, #tpu.memory_space<hbm>> -> memref<64000xf32, #tpu.memory_space<hbm>>
    %dma_wait3A_252 = arith.constant 0 : i32
    %dma_wait3A_253 = tpu.memref_slice %arg4[%dma_wait3A_252] : memref<81920000xf32, #tpu.memory_space<hbm>> -> memref<64000xf32, #tpu.memory_space<hbm>>
    tpu.wait_dma2 semaphore(%arg10 : memref<!tpu.dma_semaphore, #tpu.memory_space<semaphore_mem>>) src(%arg6 : memref<64000xf32, #tpu.memory_space<vmem>>) dst(%dma_wait3A_253 : memref<64000xf32, #tpu.memory_space<hbm>>)
    %dma_wait3A_254 = arith.constant 0 : i32
    %dma_wait3A_255 = tpu.memref_slice %arg4[%dma_wait3A_254] : memref<81920000xf32, #tpu.memory_space<hbm>> -> memref<64000xf32, #tpu.memory_space<hbm>>
    %dma_wait3A_256 = arith.constant 0 : i32
    %dma_wait3A_257 = tpu.memref_slice %arg4[%dma_wait3A_256] : memref<81920000xf32, #tpu.memory_space<hbm>> -> memref<64000xf32, #tpu.memory_space<hbm>>
    tpu.wait_dma2 semaphore(%arg10 : memref<!tpu.dma_semaphore, #tpu.memory_space<semaphore_mem>>) src(%arg6 : memref<64000xf32, #tpu.memory_space<vmem>>) dst(%dma_wait3A_257 : memref<64000xf32, #tpu.memory_space<hbm>>)
    %dma_wait3A_258 = arith.constant 0 : i32
    %dma_wait3A_259 = tpu.memref_slice %arg4[%dma_wait3A_258] : memref<81920000xf32, #tpu.memory_space<hbm>> -> memref<64000xf32, #tpu.memory_space<hbm>>
    %dma_wait3A_260 = arith.constant 0 : i32
    %dma_wait3A_261 = tpu.memref_slice %arg4[%dma_wait3A_260] : memref<81920000xf32, #tpu.memory_space<hbm>> -> memref<64000xf32, #tpu.memory_space<hbm>>
    tpu.wait_dma2 semaphore(%arg10 : memref<!tpu.dma_semaphore, #tpu.memory_space<semaphore_mem>>) src(%arg6 : memref<64000xf32, #tpu.memory_space<vmem>>) dst(%dma_wait3A_261 : memref<64000xf32, #tpu.memory_space<hbm>>)
    %dma_wait3A_262 = arith.constant 0 : i32
    %dma_wait3A_263 = tpu.memref_slice %arg4[%dma_wait3A_262] : memref<81920000xf32, #tpu.memory_space<hbm>> -> memref<64000xf32, #tpu.memory_space<hbm>>
    %dma_wait3A_264 = arith.constant 0 : i32
    %dma_wait3A_265 = tpu.memref_slice %arg4[%dma_wait3A_264] : memref<81920000xf32, #tpu.memory_space<hbm>> -> memref<64000xf32, #tpu.memory_space<hbm>>
    tpu.wait_dma2 semaphore(%arg10 : memref<!tpu.dma_semaphore, #tpu.memory_space<semaphore_mem>>) src(%arg6 : memref<64000xf32, #tpu.memory_space<vmem>>) dst(%dma_wait3A_265 : memref<64000xf32, #tpu.memory_space<hbm>>)
    %dma_wait3A_266 = arith.constant 0 : i32
    %dma_wait3A_267 = tpu.memref_slice %arg4[%dma_wait3A_266] : memref<81920000xf32, #tpu.memory_space<hbm>> -> memref<64000xf32, #tpu.memory_space<hbm>>
    %dma_wait3A_268 = arith.constant 0 : i32
    %dma_wait3A_269 = tpu.memref_slice %arg4[%dma_wait3A_268] : memref<81920000xf32, #tpu.memory_space<hbm>> -> memref<64000xf32, #tpu.memory_space<hbm>>
    tpu.wait_dma2 semaphore(%arg10 : memref<!tpu.dma_semaphore, #tpu.memory_space<semaphore_mem>>) src(%arg6 : memref<64000xf32, #tpu.memory_space<vmem>>) dst(%dma_wait3A_269 : memref<64000xf32, #tpu.memory_space<hbm>>)
    %dma_wait3A_270 = arith.constant 0 : i32
    %dma_wait3A_271 = tpu.memref_slice %arg4[%dma_wait3A_270] : memref<81920000xf32, #tpu.memory_space<hbm>> -> memref<64000xf32, #tpu.memory_space<hbm>>
    %dma_wait3A_272 = arith.constant 0 : i32
    %dma_wait3A_273 = tpu.memref_slice %arg4[%dma_wait3A_272] : memref<81920000xf32, #tpu.memory_space<hbm>> -> memref<64000xf32, #tpu.memory_space<hbm>>
    tpu.wait_dma2 semaphore(%arg10 : memref<!tpu.dma_semaphore, #tpu.memory_space<semaphore_mem>>) src(%arg6 : memref<64000xf32, #tpu.memory_space<vmem>>) dst(%dma_wait3A_273 : memref<64000xf32, #tpu.memory_space<hbm>>)
    %dma_wait3A_274 = arith.constant 0 : i32
    %dma_wait3A_275 = tpu.memref_slice %arg4[%dma_wait3A_274] : memref<81920000xf32, #tpu.memory_space<hbm>> -> memref<64000xf32, #tpu.memory_space<hbm>>
    %dma_wait3A_276 = arith.constant 0 : i32
    %dma_wait3A_277 = tpu.memref_slice %arg4[%dma_wait3A_276] : memref<81920000xf32, #tpu.memory_space<hbm>> -> memref<64000xf32, #tpu.memory_space<hbm>>
    tpu.wait_dma2 semaphore(%arg10 : memref<!tpu.dma_semaphore, #tpu.memory_space<semaphore_mem>>) src(%arg6 : memref<64000xf32, #tpu.memory_space<vmem>>) dst(%dma_wait3A_277 : memref<64000xf32, #tpu.memory_space<hbm>>)
    %dma_wait3A_278 = arith.constant 0 : i32
    %dma_wait3A_279 = tpu.memref_slice %arg4[%dma_wait3A_278] : memref<81920000xf32, #tpu.memory_space<hbm>> -> memref<64000xf32, #tpu.memory_space<hbm>>
    %dma_wait3A_280 = arith.constant 0 : i32
    %dma_wait3A_281 = tpu.memref_slice %arg4[%dma_wait3A_280] : memref<81920000xf32, #tpu.memory_space<hbm>> -> memref<64000xf32, #tpu.memory_space<hbm>>
    tpu.wait_dma2 semaphore(%arg10 : memref<!tpu.dma_semaphore, #tpu.memory_space<semaphore_mem>>) src(%arg6 : memref<64000xf32, #tpu.memory_space<vmem>>) dst(%dma_wait3A_281 : memref<64000xf32, #tpu.memory_space<hbm>>)
    %dma_wait3A_282 = arith.constant 0 : i32
    %dma_wait3A_283 = tpu.memref_slice %arg4[%dma_wait3A_282] : memref<81920000xf32, #tpu.memory_space<hbm>> -> memref<64000xf32, #tpu.memory_space<hbm>>
    %dma_wait3A_284 = arith.constant 0 : i32
    %dma_wait3A_285 = tpu.memref_slice %arg4[%dma_wait3A_284] : memref<81920000xf32, #tpu.memory_space<hbm>> -> memref<64000xf32, #tpu.memory_space<hbm>>
    tpu.wait_dma2 semaphore(%arg10 : memref<!tpu.dma_semaphore, #tpu.memory_space<semaphore_mem>>) src(%arg6 : memref<64000xf32, #tpu.memory_space<vmem>>) dst(%dma_wait3A_285 : memref<64000xf32, #tpu.memory_space<hbm>>)
    %dma_wait3A_286 = arith.constant 0 : i32
    %dma_wait3A_287 = tpu.memref_slice %arg4[%dma_wait3A_286] : memref<81920000xf32, #tpu.memory_space<hbm>> -> memref<64000xf32, #tpu.memory_space<hbm>>
    %dma_wait3A_288 = arith.constant 0 : i32
    %dma_wait3A_289 = tpu.memref_slice %arg4[%dma_wait3A_288] : memref<81920000xf32, #tpu.memory_space<hbm>> -> memref<64000xf32, #tpu.memory_space<hbm>>
    tpu.wait_dma2 semaphore(%arg10 : memref<!tpu.dma_semaphore, #tpu.memory_space<semaphore_mem>>) src(%arg6 : memref<64000xf32, #tpu.memory_space<vmem>>) dst(%dma_wait3A_289 : memref<64000xf32, #tpu.memory_space<hbm>>)
    %dma_wait3A_290 = arith.constant 0 : i32
    %dma_wait3A_291 = tpu.memref_slice %arg4[%dma_wait3A_290] : memref<81920000xf32, #tpu.memory_space<hbm>> -> memref<64000xf32, #tpu.memory_space<hbm>>
    %dma_wait3A_292 = arith.constant 0 : i32
    %dma_wait3A_293 = tpu.memref_slice %arg4[%dma_wait3A_292] : memref<81920000xf32, #tpu.memory_space<hbm>> -> memref<64000xf32, #tpu.memory_space<hbm>>
    tpu.wait_dma2 semaphore(%arg10 : memref<!tpu.dma_semaphore, #tpu.memory_space<semaphore_mem>>) src(%arg6 : memref<64000xf32, #tpu.memory_space<vmem>>) dst(%dma_wait3A_293 : memref<64000xf32, #tpu.memory_space<hbm>>)
    %dma_wait3A_294 = arith.constant 0 : i32
    %dma_wait3A_295 = tpu.memref_slice %arg4[%dma_wait3A_294] : memref<81920000xf32, #tpu.memory_space<hbm>> -> memref<64000xf32, #tpu.memory_space<hbm>>
    %dma_wait3A_296 = arith.constant 0 : i32
    %dma_wait3A_297 = tpu.memref_slice %arg4[%dma_wait3A_296] : memref<81920000xf32, #tpu.memory_space<hbm>> -> memref<64000xf32, #tpu.memory_space<hbm>>
    tpu.wait_dma2 semaphore(%arg10 : memref<!tpu.dma_semaphore, #tpu.memory_space<semaphore_mem>>) src(%arg6 : memref<64000xf32, #tpu.memory_space<vmem>>) dst(%dma_wait3A_297 : memref<64000xf32, #tpu.memory_space<hbm>>)
    %dma_wait3A_298 = arith.constant 0 : i32
    %dma_wait3A_299 = tpu.memref_slice %arg4[%dma_wait3A_298] : memref<81920000xf32, #tpu.memory_space<hbm>> -> memref<64000xf32, #tpu.memory_space<hbm>>
    %dma_wait3A_300 = arith.constant 0 : i32
    %dma_wait3A_301 = tpu.memref_slice %arg4[%dma_wait3A_300] : memref<81920000xf32, #tpu.memory_space<hbm>> -> memref<64000xf32, #tpu.memory_space<hbm>>
    tpu.wait_dma2 semaphore(%arg10 : memref<!tpu.dma_semaphore, #tpu.memory_space<semaphore_mem>>) src(%arg6 : memref<64000xf32, #tpu.memory_space<vmem>>) dst(%dma_wait3A_301 : memref<64000xf32, #tpu.memory_space<hbm>>)
    %dma_wait3A_302 = arith.constant 0 : i32
    %dma_wait3A_303 = tpu.memref_slice %arg4[%dma_wait3A_302] : memref<81920000xf32, #tpu.memory_space<hbm>> -> memref<64000xf32, #tpu.memory_space<hbm>>
    %dma_wait3A_304 = arith.constant 0 : i32
    %dma_wait3A_305 = tpu.memref_slice %arg4[%dma_wait3A_304] : memref<81920000xf32, #tpu.memory_space<hbm>> -> memref<64000xf32, #tpu.memory_space<hbm>>
    tpu.wait_dma2 semaphore(%arg10 : memref<!tpu.dma_semaphore, #tpu.memory_space<semaphore_mem>>) src(%arg6 : memref<64000xf32, #tpu.memory_space<vmem>>) dst(%dma_wait3A_305 : memref<64000xf32, #tpu.memory_space<hbm>>)
    %dma_wait3A_306 = arith.constant 0 : i32
    %dma_wait3A_307 = tpu.memref_slice %arg4[%dma_wait3A_306] : memref<81920000xf32, #tpu.memory_space<hbm>> -> memref<64000xf32, #tpu.memory_space<hbm>>
    %dma_wait3A_308 = arith.constant 0 : i32
    %dma_wait3A_309 = tpu.memref_slice %arg4[%dma_wait3A_308] : memref<81920000xf32, #tpu.memory_space<hbm>> -> memref<64000xf32, #tpu.memory_space<hbm>>
    tpu.wait_dma2 semaphore(%arg10 : memref<!tpu.dma_semaphore, #tpu.memory_space<semaphore_mem>>) src(%arg6 : memref<64000xf32, #tpu.memory_space<vmem>>) dst(%dma_wait3A_309 : memref<64000xf32, #tpu.memory_space<hbm>>)
    %dma_wait3A_310 = arith.constant 0 : i32
    %dma_wait3A_311 = tpu.memref_slice %arg4[%dma_wait3A_310] : memref<81920000xf32, #tpu.memory_space<hbm>> -> memref<64000xf32, #tpu.memory_space<hbm>>
    %dma_wait3A_312 = arith.constant 0 : i32
    %dma_wait3A_313 = tpu.memref_slice %arg4[%dma_wait3A_312] : memref<81920000xf32, #tpu.memory_space<hbm>> -> memref<64000xf32, #tpu.memory_space<hbm>>
    tpu.wait_dma2 semaphore(%arg10 : memref<!tpu.dma_semaphore, #tpu.memory_space<semaphore_mem>>) src(%arg6 : memref<64000xf32, #tpu.memory_space<vmem>>) dst(%dma_wait3A_313 : memref<64000xf32, #tpu.memory_space<hbm>>)
    %dma_wait3A_314 = arith.constant 0 : i32
    %dma_wait3A_315 = tpu.memref_slice %arg4[%dma_wait3A_314] : memref<81920000xf32, #tpu.memory_space<hbm>> -> memref<64000xf32, #tpu.memory_space<hbm>>
    %dma_wait3A_316 = arith.constant 0 : i32
    %dma_wait3A_317 = tpu.memref_slice %arg4[%dma_wait3A_316] : memref<81920000xf32, #tpu.memory_space<hbm>> -> memref<64000xf32, #tpu.memory_space<hbm>>
    tpu.wait_dma2 semaphore(%arg10 : memref<!tpu.dma_semaphore, #tpu.memory_space<semaphore_mem>>) src(%arg6 : memref<64000xf32, #tpu.memory_space<vmem>>) dst(%dma_wait3A_317 : memref<64000xf32, #tpu.memory_space<hbm>>)
    %dma_wait3A_318 = arith.constant 0 : i32
    %dma_wait3A_319 = tpu.memref_slice %arg4[%dma_wait3A_318] : memref<81920000xf32, #tpu.memory_space<hbm>> -> memref<64000xf32, #tpu.memory_space<hbm>>
    %dma_wait3A_320 = arith.constant 0 : i32
    %dma_wait3A_321 = tpu.memref_slice %arg4[%dma_wait3A_320] : memref<81920000xf32, #tpu.memory_space<hbm>> -> memref<64000xf32, #tpu.memory_space<hbm>>
    tpu.wait_dma2 semaphore(%arg10 : memref<!tpu.dma_semaphore, #tpu.memory_space<semaphore_mem>>) src(%arg6 : memref<64000xf32, #tpu.memory_space<vmem>>) dst(%dma_wait3A_321 : memref<64000xf32, #tpu.memory_space<hbm>>)
    %dma_wait3A_322 = arith.constant 0 : i32
    %dma_wait3A_323 = tpu.memref_slice %arg4[%dma_wait3A_322] : memref<81920000xf32, #tpu.memory_space<hbm>> -> memref<64000xf32, #tpu.memory_space<hbm>>
    %dma_wait3A_324 = arith.constant 0 : i32
    %dma_wait3A_325 = tpu.memref_slice %arg4[%dma_wait3A_324] : memref<81920000xf32, #tpu.memory_space<hbm>> -> memref<64000xf32, #tpu.memory_space<hbm>>
    tpu.wait_dma2 semaphore(%arg10 : memref<!tpu.dma_semaphore, #tpu.memory_space<semaphore_mem>>) src(%arg6 : memref<64000xf32, #tpu.memory_space<vmem>>) dst(%dma_wait3A_325 : memref<64000xf32, #tpu.memory_space<hbm>>)
    %dma_wait3A_326 = arith.constant 0 : i32
    %dma_wait3A_327 = tpu.memref_slice %arg4[%dma_wait3A_326] : memref<81920000xf32, #tpu.memory_space<hbm>> -> memref<64000xf32, #tpu.memory_space<hbm>>
    %dma_wait3A_328 = arith.constant 0 : i32
    %dma_wait3A_329 = tpu.memref_slice %arg4[%dma_wait3A_328] : memref<81920000xf32, #tpu.memory_space<hbm>> -> memref<64000xf32, #tpu.memory_space<hbm>>
    tpu.wait_dma2 semaphore(%arg10 : memref<!tpu.dma_semaphore, #tpu.memory_space<semaphore_mem>>) src(%arg6 : memref<64000xf32, #tpu.memory_space<vmem>>) dst(%dma_wait3A_329 : memref<64000xf32, #tpu.memory_space<hbm>>)
    %dma_wait3A_330 = arith.constant 0 : i32
    %dma_wait3A_331 = tpu.memref_slice %arg4[%dma_wait3A_330] : memref<81920000xf32, #tpu.memory_space<hbm>> -> memref<64000xf32, #tpu.memory_space<hbm>>
    %dma_wait3A_332 = arith.constant 0 : i32
    %dma_wait3A_333 = tpu.memref_slice %arg4[%dma_wait3A_332] : memref<81920000xf32, #tpu.memory_space<hbm>> -> memref<64000xf32, #tpu.memory_space<hbm>>
    tpu.wait_dma2 semaphore(%arg10 : memref<!tpu.dma_semaphore, #tpu.memory_space<semaphore_mem>>) src(%arg6 : memref<64000xf32, #tpu.memory_space<vmem>>) dst(%dma_wait3A_333 : memref<64000xf32, #tpu.memory_space<hbm>>)
    %dma_wait3A_334 = arith.constant 0 : i32
    %dma_wait3A_335 = tpu.memref_slice %arg4[%dma_wait3A_334] : memref<81920000xf32, #tpu.memory_space<hbm>> -> memref<64000xf32, #tpu.memory_space<hbm>>
    %dma_wait3A_336 = arith.constant 0 : i32
    %dma_wait3A_337 = tpu.memref_slice %arg4[%dma_wait3A_336] : memref<81920000xf32, #tpu.memory_space<hbm>> -> memref<64000xf32, #tpu.memory_space<hbm>>
    tpu.wait_dma2 semaphore(%arg10 : memref<!tpu.dma_semaphore, #tpu.memory_space<semaphore_mem>>) src(%arg6 : memref<64000xf32, #tpu.memory_space<vmem>>) dst(%dma_wait3A_337 : memref<64000xf32, #tpu.memory_space<hbm>>)
    %dma_wait3A_338 = arith.constant 0 : i32
    %dma_wait3A_339 = tpu.memref_slice %arg4[%dma_wait3A_338] : memref<81920000xf32, #tpu.memory_space<hbm>> -> memref<64000xf32, #tpu.memory_space<hbm>>
    %dma_wait3A_340 = arith.constant 0 : i32
    %dma_wait3A_341 = tpu.memref_slice %arg4[%dma_wait3A_340] : memref<81920000xf32, #tpu.memory_space<hbm>> -> memref<64000xf32, #tpu.memory_space<hbm>>
    tpu.wait_dma2 semaphore(%arg10 : memref<!tpu.dma_semaphore, #tpu.memory_space<semaphore_mem>>) src(%arg6 : memref<64000xf32, #tpu.memory_space<vmem>>) dst(%dma_wait3A_341 : memref<64000xf32, #tpu.memory_space<hbm>>)
    %dma_wait3A_342 = arith.constant 0 : i32
    %dma_wait3A_343 = tpu.memref_slice %arg4[%dma_wait3A_342] : memref<81920000xf32, #tpu.memory_space<hbm>> -> memref<64000xf32, #tpu.memory_space<hbm>>
    %dma_wait3A_344 = arith.constant 0 : i32
    %dma_wait3A_345 = tpu.memref_slice %arg4[%dma_wait3A_344] : memref<81920000xf32, #tpu.memory_space<hbm>> -> memref<64000xf32, #tpu.memory_space<hbm>>
    tpu.wait_dma2 semaphore(%arg10 : memref<!tpu.dma_semaphore, #tpu.memory_space<semaphore_mem>>) src(%arg6 : memref<64000xf32, #tpu.memory_space<vmem>>) dst(%dma_wait3A_345 : memref<64000xf32, #tpu.memory_space<hbm>>)
    %dma_wait3A_346 = arith.constant 0 : i32
    %dma_wait3A_347 = tpu.memref_slice %arg4[%dma_wait3A_346] : memref<81920000xf32, #tpu.memory_space<hbm>> -> memref<64000xf32, #tpu.memory_space<hbm>>
    %dma_wait3A_348 = arith.constant 0 : i32
    %dma_wait3A_349 = tpu.memref_slice %arg4[%dma_wait3A_348] : memref<81920000xf32, #tpu.memory_space<hbm>> -> memref<64000xf32, #tpu.memory_space<hbm>>
    tpu.wait_dma2 semaphore(%arg10 : memref<!tpu.dma_semaphore, #tpu.memory_space<semaphore_mem>>) src(%arg6 : memref<64000xf32, #tpu.memory_space<vmem>>) dst(%dma_wait3A_349 : memref<64000xf32, #tpu.memory_space<hbm>>)
    %dma_wait3A_350 = arith.constant 0 : i32
    %dma_wait3A_351 = tpu.memref_slice %arg4[%dma_wait3A_350] : memref<81920000xf32, #tpu.memory_space<hbm>> -> memref<64000xf32, #tpu.memory_space<hbm>>
    %dma_wait3A_352 = arith.constant 0 : i32
    %dma_wait3A_353 = tpu.memref_slice %arg4[%dma_wait3A_352] : memref<81920000xf32, #tpu.memory_space<hbm>> -> memref<64000xf32, #tpu.memory_space<hbm>>
    tpu.wait_dma2 semaphore(%arg10 : memref<!tpu.dma_semaphore, #tpu.memory_space<semaphore_mem>>) src(%arg6 : memref<64000xf32, #tpu.memory_space<vmem>>) dst(%dma_wait3A_353 : memref<64000xf32, #tpu.memory_space<hbm>>)
    %dma_wait3A_354 = arith.constant 0 : i32
    %dma_wait3A_355 = tpu.memref_slice %arg4[%dma_wait3A_354] : memref<81920000xf32, #tpu.memory_space<hbm>> -> memref<64000xf32, #tpu.memory_space<hbm>>
    %dma_wait3A_356 = arith.constant 0 : i32
    %dma_wait3A_357 = tpu.memref_slice %arg4[%dma_wait3A_356] : memref<81920000xf32, #tpu.memory_space<hbm>> -> memref<64000xf32, #tpu.memory_space<hbm>>
    tpu.wait_dma2 semaphore(%arg10 : memref<!tpu.dma_semaphore, #tpu.memory_space<semaphore_mem>>) src(%arg6 : memref<64000xf32, #tpu.memory_space<vmem>>) dst(%dma_wait3A_357 : memref<64000xf32, #tpu.memory_space<hbm>>)
    %barrier3A_358 = arith.constant 0 : index
    tpu.barrier barrier_id(%barrier3A_358)
    %dma_start3A_359 = arith.constant 0 : i32
    %dma_start3A_360 = arith.constant 0 : i32
    %dma_start3A_361 = tpu.memref_slice %arg8[%dma_start3A_359, %dma_start3A_360] : memref<20x128xi32, #tpu.memory_space<vmem>> -> memref<1x128xi32, #tpu.memory_space<vmem>>
    %dma_start3A_362 = tpu.memref_squeeze %dma_start3A_361 : memref<1x128xi32, #tpu.memory_space<vmem>> -> memref<128xi32, #tpu.memory_space<vmem>>
    %dma_start3A_363 = arith.constant 0 : i32
    %dma_start3A_364 = tpu.memref_slice %arg4[%dma_start3A_363] : memref<81920000xf32, #tpu.memory_space<hbm>> -> memref<81920000xf32, #tpu.memory_space<hbm>>
    tpu.enqueue_indirect_dma source(%arg9 : memref<128xf32, #tpu.memory_space<vmem>>) target(%dma_start3A_364 : memref<81920000xf32, #tpu.memory_space<hbm>>) offsets(%dma_start3A_362 : memref<128xi32, #tpu.memory_space<vmem>>) semaphore(%arg11 : memref<!tpu.dma_semaphore, #tpu.memory_space<semaphore_mem>>)
    %dma_start3A_365 = arith.constant 1 : i32
    %dma_start3A_366 = arith.constant 0 : i32
    %dma_start3A_367 = tpu.memref_slice %arg8[%dma_start3A_365, %dma_start3A_366] : memref<20x128xi32, #tpu.memory_space<vmem>> -> memref<1x128xi32, #tpu.memory_space<vmem>>
    %dma_start3A_368 = tpu.memref_squeeze %dma_start3A_367 : memref<1x128xi32, #tpu.memory_space<vmem>> -> memref<128xi32, #tpu.memory_space<vmem>>
    %dma_start3A_369 = arith.constant 0 : i32
    %dma_start3A_370 = tpu.memref_slice %arg4[%dma_start3A_369] : memref<81920000xf32, #tpu.memory_space<hbm>> -> memref<81920000xf32, #tpu.memory_space<hbm>>
    tpu.enqueue_indirect_dma source(%arg9 : memref<128xf32, #tpu.memory_space<vmem>>) target(%dma_start3A_370 : memref<81920000xf32, #tpu.memory_space<hbm>>) offsets(%dma_start3A_368 : memref<128xi32, #tpu.memory_space<vmem>>) semaphore(%arg11 : memref<!tpu.dma_semaphore, #tpu.memory_space<semaphore_mem>>)
    %dma_start3A_371 = arith.constant 2 : i32
    %dma_start3A_372 = arith.constant 0 : i32
    %dma_start3A_373 = tpu.memref_slice %arg8[%dma_start3A_371, %dma_start3A_372] : memref<20x128xi32, #tpu.memory_space<vmem>> -> memref<1x128xi32, #tpu.memory_space<vmem>>
    %dma_start3A_374 = tpu.memref_squeeze %dma_start3A_373 : memref<1x128xi32, #tpu.memory_space<vmem>> -> memref<128xi32, #tpu.memory_space<vmem>>
    %dma_start3A_375 = arith.constant 0 : i32
    %dma_start3A_376 = tpu.memref_slice %arg4[%dma_start3A_375] : memref<81920000xf32, #tpu.memory_space<hbm>> -> memref<81920000xf32, #tpu.memory_space<hbm>>
    tpu.enqueue_indirect_dma source(%arg9 : memref<128xf32, #tpu.memory_space<vmem>>) target(%dma_start3A_376 : memref<81920000xf32, #tpu.memory_space<hbm>>) offsets(%dma_start3A_374 : memref<128xi32, #tpu.memory_space<vmem>>) semaphore(%arg11 : memref<!tpu.dma_semaphore, #tpu.memory_space<semaphore_mem>>)
    %dma_start3A_377 = arith.constant 3 : i32
    %dma_start3A_378 = arith.constant 0 : i32
    %dma_start3A_379 = tpu.memref_slice %arg8[%dma_start3A_377, %dma_start3A_378] : memref<20x128xi32, #tpu.memory_space<vmem>> -> memref<1x128xi32, #tpu.memory_space<vmem>>
    %dma_start3A_380 = tpu.memref_squeeze %dma_start3A_379 : memref<1x128xi32, #tpu.memory_space<vmem>> -> memref<128xi32, #tpu.memory_space<vmem>>
    %dma_start3A_381 = arith.constant 0 : i32
    %dma_start3A_382 = tpu.memref_slice %arg4[%dma_start3A_381] : memref<81920000xf32, #tpu.memory_space<hbm>> -> memref<81920000xf32, #tpu.memory_space<hbm>>
    tpu.enqueue_indirect_dma source(%arg9 : memref<128xf32, #tpu.memory_space<vmem>>) target(%dma_start3A_382 : memref<81920000xf32, #tpu.memory_space<hbm>>) offsets(%dma_start3A_380 : memref<128xi32, #tpu.memory_space<vmem>>) semaphore(%arg11 : memref<!tpu.dma_semaphore, #tpu.memory_space<semaphore_mem>>)
    %dma_start3A_383 = arith.constant 4 : i32
    %dma_start3A_384 = arith.constant 0 : i32
    %dma_start3A_385 = tpu.memref_slice %arg8[%dma_start3A_383, %dma_start3A_384] : memref<20x128xi32, #tpu.memory_space<vmem>> -> memref<1x128xi32, #tpu.memory_space<vmem>>
    %dma_start3A_386 = tpu.memref_squeeze %dma_start3A_385 : memref<1x128xi32, #tpu.memory_space<vmem>> -> memref<128xi32, #tpu.memory_space<vmem>>
    %dma_start3A_387 = arith.constant 0 : i32
    %dma_start3A_388 = tpu.memref_slice %arg4[%dma_start3A_387] : memref<81920000xf32, #tpu.memory_space<hbm>> -> memref<81920000xf32, #tpu.memory_space<hbm>>
    tpu.enqueue_indirect_dma source(%arg9 : memref<128xf32, #tpu.memory_space<vmem>>) target(%dma_start3A_388 : memref<81920000xf32, #tpu.memory_space<hbm>>) offsets(%dma_start3A_386 : memref<128xi32, #tpu.memory_space<vmem>>) semaphore(%arg11 : memref<!tpu.dma_semaphore, #tpu.memory_space<semaphore_mem>>)
    %dma_start3A_389 = arith.constant 5 : i32
    %dma_start3A_390 = arith.constant 0 : i32
    %dma_start3A_391 = tpu.memref_slice %arg8[%dma_start3A_389, %dma_start3A_390] : memref<20x128xi32, #tpu.memory_space<vmem>> -> memref<1x128xi32, #tpu.memory_space<vmem>>
    %dma_start3A_392 = tpu.memref_squeeze %dma_start3A_391 : memref<1x128xi32, #tpu.memory_space<vmem>> -> memref<128xi32, #tpu.memory_space<vmem>>
    %dma_start3A_393 = arith.constant 0 : i32
    %dma_start3A_394 = tpu.memref_slice %arg4[%dma_start3A_393] : memref<81920000xf32, #tpu.memory_space<hbm>> -> memref<81920000xf32, #tpu.memory_space<hbm>>
    tpu.enqueue_indirect_dma source(%arg9 : memref<128xf32, #tpu.memory_space<vmem>>) target(%dma_start3A_394 : memref<81920000xf32, #tpu.memory_space<hbm>>) offsets(%dma_start3A_392 : memref<128xi32, #tpu.memory_space<vmem>>) semaphore(%arg11 : memref<!tpu.dma_semaphore, #tpu.memory_space<semaphore_mem>>)
    %dma_start3A_395 = arith.constant 6 : i32
    %dma_start3A_396 = arith.constant 0 : i32
    %dma_start3A_397 = tpu.memref_slice %arg8[%dma_start3A_395, %dma_start3A_396] : memref<20x128xi32, #tpu.memory_space<vmem>> -> memref<1x128xi32, #tpu.memory_space<vmem>>
    %dma_start3A_398 = tpu.memref_squeeze %dma_start3A_397 : memref<1x128xi32, #tpu.memory_space<vmem>> -> memref<128xi32, #tpu.memory_space<vmem>>
    %dma_start3A_399 = arith.constant 0 : i32
    %dma_start3A_400 = tpu.memref_slice %arg4[%dma_start3A_399] : memref<81920000xf32, #tpu.memory_space<hbm>> -> memref<81920000xf32, #tpu.memory_space<hbm>>
    tpu.enqueue_indirect_dma source(%arg9 : memref<128xf32, #tpu.memory_space<vmem>>) target(%dma_start3A_400 : memref<81920000xf32, #tpu.memory_space<hbm>>) offsets(%dma_start3A_398 : memref<128xi32, #tpu.memory_space<vmem>>) semaphore(%arg11 : memref<!tpu.dma_semaphore, #tpu.memory_space<semaphore_mem>>)
    %dma_start3A_401 = arith.constant 7 : i32
    %dma_start3A_402 = arith.constant 0 : i32
    %dma_start3A_403 = tpu.memref_slice %arg8[%dma_start3A_401, %dma_start3A_402] : memref<20x128xi32, #tpu.memory_space<vmem>> -> memref<1x128xi32, #tpu.memory_space<vmem>>
    %dma_start3A_404 = tpu.memref_squeeze %dma_start3A_403 : memref<1x128xi32, #tpu.memory_space<vmem>> -> memref<128xi32, #tpu.memory_space<vmem>>
    %dma_start3A_405 = arith.constant 0 : i32
    %dma_start3A_406 = tpu.memref_slice %arg4[%dma_start3A_405] : memref<81920000xf32, #tpu.memory_space<hbm>> -> memref<81920000xf32, #tpu.memory_space<hbm>>
    tpu.enqueue_indirect_dma source(%arg9 : memref<128xf32, #tpu.memory_space<vmem>>) target(%dma_start3A_406 : memref<81920000xf32, #tpu.memory_space<hbm>>) offsets(%dma_start3A_404 : memref<128xi32, #tpu.memory_space<vmem>>) semaphore(%arg11 : memref<!tpu.dma_semaphore, #tpu.memory_space<semaphore_mem>>)
    %dma_start3A_407 = arith.constant 8 : i32
    %dma_start3A_408 = arith.constant 0 : i32
    %dma_start3A_409 = tpu.memref_slice %arg8[%dma_start3A_407, %dma_start3A_408] : memref<20x128xi32, #tpu.memory_space<vmem>> -> memref<1x128xi32, #tpu.memory_space<vmem>>
    %dma_start3A_410 = tpu.memref_squeeze %dma_start3A_409 : memref<1x128xi32, #tpu.memory_space<vmem>> -> memref<128xi32, #tpu.memory_space<vmem>>
    %dma_start3A_411 = arith.constant 0 : i32
    %dma_start3A_412 = tpu.memref_slice %arg4[%dma_start3A_411] : memref<81920000xf32, #tpu.memory_space<hbm>> -> memref<81920000xf32, #tpu.memory_space<hbm>>
    tpu.enqueue_indirect_dma source(%arg9 : memref<128xf32, #tpu.memory_space<vmem>>) target(%dma_start3A_412 : memref<81920000xf32, #tpu.memory_space<hbm>>) offsets(%dma_start3A_410 : memref<128xi32, #tpu.memory_space<vmem>>) semaphore(%arg11 : memref<!tpu.dma_semaphore, #tpu.memory_space<semaphore_mem>>)
    %dma_start3A_413 = arith.constant 9 : i32
    %dma_start3A_414 = arith.constant 0 : i32
    %dma_start3A_415 = tpu.memref_slice %arg8[%dma_start3A_413, %dma_start3A_414] : memref<20x128xi32, #tpu.memory_space<vmem>> -> memref<1x128xi32, #tpu.memory_space<vmem>>
    %dma_start3A_416 = tpu.memref_squeeze %dma_start3A_415 : memref<1x128xi32, #tpu.memory_space<vmem>> -> memref<128xi32, #tpu.memory_space<vmem>>
    %dma_start3A_417 = arith.constant 0 : i32
    %dma_start3A_418 = tpu.memref_slice %arg4[%dma_start3A_417] : memref<81920000xf32, #tpu.memory_space<hbm>> -> memref<81920000xf32, #tpu.memory_space<hbm>>
    tpu.enqueue_indirect_dma source(%arg9 : memref<128xf32, #tpu.memory_space<vmem>>) target(%dma_start3A_418 : memref<81920000xf32, #tpu.memory_space<hbm>>) offsets(%dma_start3A_416 : memref<128xi32, #tpu.memory_space<vmem>>) semaphore(%arg11 : memref<!tpu.dma_semaphore, #tpu.memory_space<semaphore_mem>>)
    %dma_start3A_419 = arith.constant 10 : i32
    %dma_start3A_420 = arith.constant 0 : i32
    %dma_start3A_421 = tpu.memref_slice %arg8[%dma_start3A_419, %dma_start3A_420] : memref<20x128xi32, #tpu.memory_space<vmem>> -> memref<1x128xi32, #tpu.memory_space<vmem>>
    %dma_start3A_422 = tpu.memref_squeeze %dma_start3A_421 : memref<1x128xi32, #tpu.memory_space<vmem>> -> memref<128xi32, #tpu.memory_space<vmem>>
    %dma_start3A_423 = arith.constant 0 : i32
    %dma_start3A_424 = tpu.memref_slice %arg4[%dma_start3A_423] : memref<81920000xf32, #tpu.memory_space<hbm>> -> memref<81920000xf32, #tpu.memory_space<hbm>>
    tpu.enqueue_indirect_dma source(%arg9 : memref<128xf32, #tpu.memory_space<vmem>>) target(%dma_start3A_424 : memref<81920000xf32, #tpu.memory_space<hbm>>) offsets(%dma_start3A_422 : memref<128xi32, #tpu.memory_space<vmem>>) semaphore(%arg11 : memref<!tpu.dma_semaphore, #tpu.memory_space<semaphore_mem>>)
    %dma_start3A_425 = arith.constant 11 : i32
    %dma_start3A_426 = arith.constant 0 : i32
    %dma_start3A_427 = tpu.memref_slice %arg8[%dma_start3A_425, %dma_start3A_426] : memref<20x128xi32, #tpu.memory_space<vmem>> -> memref<1x128xi32, #tpu.memory_space<vmem>>
    %dma_start3A_428 = tpu.memref_squeeze %dma_start3A_427 : memref<1x128xi32, #tpu.memory_space<vmem>> -> memref<128xi32, #tpu.memory_space<vmem>>
    %dma_start3A_429 = arith.constant 0 : i32
    %dma_start3A_430 = tpu.memref_slice %arg4[%dma_start3A_429] : memref<81920000xf32, #tpu.memory_space<hbm>> -> memref<81920000xf32, #tpu.memory_space<hbm>>
    tpu.enqueue_indirect_dma source(%arg9 : memref<128xf32, #tpu.memory_space<vmem>>) target(%dma_start3A_430 : memref<81920000xf32, #tpu.memory_space<hbm>>) offsets(%dma_start3A_428 : memref<128xi32, #tpu.memory_space<vmem>>) semaphore(%arg11 : memref<!tpu.dma_semaphore, #tpu.memory_space<semaphore_mem>>)
    %dma_start3A_431 = arith.constant 12 : i32
    %dma_start3A_432 = arith.constant 0 : i32
    %dma_start3A_433 = tpu.memref_slice %arg8[%dma_start3A_431, %dma_start3A_432] : memref<20x128xi32, #tpu.memory_space<vmem>> -> memref<1x128xi32, #tpu.memory_space<vmem>>
    %dma_start3A_434 = tpu.memref_squeeze %dma_start3A_433 : memref<1x128xi32, #tpu.memory_space<vmem>> -> memref<128xi32, #tpu.memory_space<vmem>>
    %dma_start3A_435 = arith.constant 0 : i32
    %dma_start3A_436 = tpu.memref_slice %arg4[%dma_start3A_435] : memref<81920000xf32, #tpu.memory_space<hbm>> -> memref<81920000xf32, #tpu.memory_space<hbm>>
    tpu.enqueue_indirect_dma source(%arg9 : memref<128xf32, #tpu.memory_space<vmem>>) target(%dma_start3A_436 : memref<81920000xf32, #tpu.memory_space<hbm>>) offsets(%dma_start3A_434 : memref<128xi32, #tpu.memory_space<vmem>>) semaphore(%arg11 : memref<!tpu.dma_semaphore, #tpu.memory_space<semaphore_mem>>)
    %dma_start3A_437 = arith.constant 13 : i32
    %dma_start3A_438 = arith.constant 0 : i32
    %dma_start3A_439 = tpu.memref_slice %arg8[%dma_start3A_437, %dma_start3A_438] : memref<20x128xi32, #tpu.memory_space<vmem>> -> memref<1x128xi32, #tpu.memory_space<vmem>>
    %dma_start3A_440 = tpu.memref_squeeze %dma_start3A_439 : memref<1x128xi32, #tpu.memory_space<vmem>> -> memref<128xi32, #tpu.memory_space<vmem>>
    %dma_start3A_441 = arith.constant 0 : i32
    %dma_start3A_442 = tpu.memref_slice %arg4[%dma_start3A_441] : memref<81920000xf32, #tpu.memory_space<hbm>> -> memref<81920000xf32, #tpu.memory_space<hbm>>
    tpu.enqueue_indirect_dma source(%arg9 : memref<128xf32, #tpu.memory_space<vmem>>) target(%dma_start3A_442 : memref<81920000xf32, #tpu.memory_space<hbm>>) offsets(%dma_start3A_440 : memref<128xi32, #tpu.memory_space<vmem>>) semaphore(%arg11 : memref<!tpu.dma_semaphore, #tpu.memory_space<semaphore_mem>>)
    %dma_start3A_443 = arith.constant 14 : i32
    %dma_start3A_444 = arith.constant 0 : i32
    %dma_start3A_445 = tpu.memref_slice %arg8[%dma_start3A_443, %dma_start3A_444] : memref<20x128xi32, #tpu.memory_space<vmem>> -> memref<1x128xi32, #tpu.memory_space<vmem>>
    %dma_start3A_446 = tpu.memref_squeeze %dma_start3A_445 : memref<1x128xi32, #tpu.memory_space<vmem>> -> memref<128xi32, #tpu.memory_space<vmem>>
    %dma_start3A_447 = arith.constant 0 : i32
    %dma_start3A_448 = tpu.memref_slice %arg4[%dma_start3A_447] : memref<81920000xf32, #tpu.memory_space<hbm>> -> memref<81920000xf32, #tpu.memory_space<hbm>>
    tpu.enqueue_indirect_dma source(%arg9 : memref<128xf32, #tpu.memory_space<vmem>>) target(%dma_start3A_448 : memref<81920000xf32, #tpu.memory_space<hbm>>) offsets(%dma_start3A_446 : memref<128xi32, #tpu.memory_space<vmem>>) semaphore(%arg11 : memref<!tpu.dma_semaphore, #tpu.memory_space<semaphore_mem>>)
    %dma_start3A_449 = arith.constant 15 : i32
    %dma_start3A_450 = arith.constant 0 : i32
    %dma_start3A_451 = tpu.memref_slice %arg8[%dma_start3A_449, %dma_start3A_450] : memref<20x128xi32, #tpu.memory_space<vmem>> -> memref<1x128xi32, #tpu.memory_space<vmem>>
    %dma_start3A_452 = tpu.memref_squeeze %dma_start3A_451 : memref<1x128xi32, #tpu.memory_space<vmem>> -> memref<128xi32, #tpu.memory_space<vmem>>
    %dma_start3A_453 = arith.constant 0 : i32
    %dma_start3A_454 = tpu.memref_slice %arg4[%dma_start3A_453] : memref<81920000xf32, #tpu.memory_space<hbm>> -> memref<81920000xf32, #tpu.memory_space<hbm>>
    tpu.enqueue_indirect_dma source(%arg9 : memref<128xf32, #tpu.memory_space<vmem>>) target(%dma_start3A_454 : memref<81920000xf32, #tpu.memory_space<hbm>>) offsets(%dma_start3A_452 : memref<128xi32, #tpu.memory_space<vmem>>) semaphore(%arg11 : memref<!tpu.dma_semaphore, #tpu.memory_space<semaphore_mem>>)
    %dma_start3A_455 = arith.constant 16 : i32
    %dma_start3A_456 = arith.constant 0 : i32
    %dma_start3A_457 = tpu.memref_slice %arg8[%dma_start3A_455, %dma_start3A_456] : memref<20x128xi32, #tpu.memory_space<vmem>> -> memref<1x128xi32, #tpu.memory_space<vmem>>
    %dma_start3A_458 = tpu.memref_squeeze %dma_start3A_457 : memref<1x128xi32, #tpu.memory_space<vmem>> -> memref<128xi32, #tpu.memory_space<vmem>>
    %dma_start3A_459 = arith.constant 0 : i32
    %dma_start3A_460 = tpu.memref_slice %arg4[%dma_start3A_459] : memref<81920000xf32, #tpu.memory_space<hbm>> -> memref<81920000xf32, #tpu.memory_space<hbm>>
    tpu.enqueue_indirect_dma source(%arg9 : memref<128xf32, #tpu.memory_space<vmem>>) target(%dma_start3A_460 : memref<81920000xf32, #tpu.memory_space<hbm>>) offsets(%dma_start3A_458 : memref<128xi32, #tpu.memory_space<vmem>>) semaphore(%arg11 : memref<!tpu.dma_semaphore, #tpu.memory_space<semaphore_mem>>)
    %dma_start3A_461 = arith.constant 17 : i32
    %dma_start3A_462 = arith.constant 0 : i32
    %dma_start3A_463 = tpu.memref_slice %arg8[%dma_start3A_461, %dma_start3A_462] : memref<20x128xi32, #tpu.memory_space<vmem>> -> memref<1x128xi32, #tpu.memory_space<vmem>>
    %dma_start3A_464 = tpu.memref_squeeze %dma_start3A_463 : memref<1x128xi32, #tpu.memory_space<vmem>> -> memref<128xi32, #tpu.memory_space<vmem>>
    %dma_start3A_465 = arith.constant 0 : i32
    %dma_start3A_466 = tpu.memref_slice %arg4[%dma_start3A_465] : memref<81920000xf32, #tpu.memory_space<hbm>> -> memref<81920000xf32, #tpu.memory_space<hbm>>
    tpu.enqueue_indirect_dma source(%arg9 : memref<128xf32, #tpu.memory_space<vmem>>) target(%dma_start3A_466 : memref<81920000xf32, #tpu.memory_space<hbm>>) offsets(%dma_start3A_464 : memref<128xi32, #tpu.memory_space<vmem>>) semaphore(%arg11 : memref<!tpu.dma_semaphore, #tpu.memory_space<semaphore_mem>>)
    %dma_start3A_467 = arith.constant 18 : i32
    %dma_start3A_468 = arith.constant 0 : i32
    %dma_start3A_469 = tpu.memref_slice %arg8[%dma_start3A_467, %dma_start3A_468] : memref<20x128xi32, #tpu.memory_space<vmem>> -> memref<1x128xi32, #tpu.memory_space<vmem>>
    %dma_start3A_470 = tpu.memref_squeeze %dma_start3A_469 : memref<1x128xi32, #tpu.memory_space<vmem>> -> memref<128xi32, #tpu.memory_space<vmem>>
    %dma_start3A_471 = arith.constant 0 : i32
    %dma_start3A_472 = tpu.memref_slice %arg4[%dma_start3A_471] : memref<81920000xf32, #tpu.memory_space<hbm>> -> memref<81920000xf32, #tpu.memory_space<hbm>>
    tpu.enqueue_indirect_dma source(%arg9 : memref<128xf32, #tpu.memory_space<vmem>>) target(%dma_start3A_472 : memref<81920000xf32, #tpu.memory_space<hbm>>) offsets(%dma_start3A_470 : memref<128xi32, #tpu.memory_space<vmem>>) semaphore(%arg11 : memref<!tpu.dma_semaphore, #tpu.memory_space<semaphore_mem>>)
    %dma_start3A_473 = arith.constant 19 : i32
    %dma_start3A_474 = arith.constant 0 : i32
    %dma_start3A_475 = tpu.memref_slice %arg8[%dma_start3A_473, %dma_start3A_474] : memref<20x128xi32, #tpu.memory_space<vmem>> -> memref<1x128xi32, #tpu.memory_space<vmem>>
    %dma_start3A_476 = tpu.memref_squeeze %dma_start3A_475 : memref<1x128xi32, #tpu.memory_space<vmem>> -> memref<128xi32, #tpu.memory_space<vmem>>
    %dma_start3A_477 = arith.constant 0 : i32
    %dma_start3A_478 = tpu.memref_slice %arg4[%dma_start3A_477] : memref<81920000xf32, #tpu.memory_space<hbm>> -> memref<81920000xf32, #tpu.memory_space<hbm>>
    tpu.enqueue_indirect_dma source(%arg9 : memref<128xf32, #tpu.memory_space<vmem>>) target(%dma_start3A_478 : memref<81920000xf32, #tpu.memory_space<hbm>>) offsets(%dma_start3A_476 : memref<128xi32, #tpu.memory_space<vmem>>) semaphore(%arg11 : memref<!tpu.dma_semaphore, #tpu.memory_space<semaphore_mem>>)
    %dma_wait3A_479 = arith.constant 0 : i32
    %dma_wait3A_480 = arith.constant 0 : i32
    %dma_wait3A_481 = tpu.memref_slice %arg8[%dma_wait3A_479, %dma_wait3A_480] : memref<20x128xi32, #tpu.memory_space<vmem>> -> memref<1x128xi32, #tpu.memory_space<vmem>>
    %dma_wait3A_482 = tpu.memref_squeeze %dma_wait3A_481 : memref<1x128xi32, #tpu.memory_space<vmem>> -> memref<128xi32, #tpu.memory_space<vmem>>
    %dma_wait3A_483 = arith.constant 0 : i32
    %dma_wait3A_484 = tpu.memref_slice %arg4[%dma_wait3A_483] : memref<81920000xf32, #tpu.memory_space<hbm>> -> memref<81920000xf32, #tpu.memory_space<hbm>>
    tpu.wait_indirect_dma semaphore(%arg11 : memref<!tpu.dma_semaphore, #tpu.memory_space<semaphore_mem>>) src(%arg9 : memref<128xf32, #tpu.memory_space<vmem>>) dst(%dma_wait3A_484 : memref<81920000xf32, #tpu.memory_space<hbm>>)
    %dma_wait3A_485 = arith.constant 0 : i32
    %dma_wait3A_486 = arith.constant 0 : i32
    %dma_wait3A_487 = tpu.memref_slice %arg8[%dma_wait3A_485, %dma_wait3A_486] : memref<20x128xi32, #tpu.memory_space<vmem>> -> memref<1x128xi32, #tpu.memory_space<vmem>>
    %dma_wait3A_488 = tpu.memref_squeeze %dma_wait3A_487 : memref<1x128xi32, #tpu.memory_space<vmem>> -> memref<128xi32, #tpu.memory_space<vmem>>
    %dma_wait3A_489 = arith.constant 0 : i32
    %dma_wait3A_490 = tpu.memref_slice %arg4[%dma_wait3A_489] : memref<81920000xf32, #tpu.memory_space<hbm>> -> memref<81920000xf32, #tpu.memory_space<hbm>>
    tpu.wait_indirect_dma semaphore(%arg11 : memref<!tpu.dma_semaphore, #tpu.memory_space<semaphore_mem>>) src(%arg9 : memref<128xf32, #tpu.memory_space<vmem>>) dst(%dma_wait3A_490 : memref<81920000xf32, #tpu.memory_space<hbm>>)
    %dma_wait3A_491 = arith.constant 0 : i32
    %dma_wait3A_492 = arith.constant 0 : i32
    %dma_wait3A_493 = tpu.memref_slice %arg8[%dma_wait3A_491, %dma_wait3A_492] : memref<20x128xi32, #tpu.memory_space<vmem>> -> memref<1x128xi32, #tpu.memory_space<vmem>>
    %dma_wait3A_494 = tpu.memref_squeeze %dma_wait3A_493 : memref<1x128xi32, #tpu.memory_space<vmem>> -> memref<128xi32, #tpu.memory_space<vmem>>
    %dma_wait3A_495 = arith.constant 0 : i32
    %dma_wait3A_496 = tpu.memref_slice %arg4[%dma_wait3A_495] : memref<81920000xf32, #tpu.memory_space<hbm>> -> memref<81920000xf32, #tpu.memory_space<hbm>>
    tpu.wait_indirect_dma semaphore(%arg11 : memref<!tpu.dma_semaphore, #tpu.memory_space<semaphore_mem>>) src(%arg9 : memref<128xf32, #tpu.memory_space<vmem>>) dst(%dma_wait3A_496 : memref<81920000xf32, #tpu.memory_space<hbm>>)
    %dma_wait3A_497 = arith.constant 0 : i32
    %dma_wait3A_498 = arith.constant 0 : i32
    %dma_wait3A_499 = tpu.memref_slice %arg8[%dma_wait3A_497, %dma_wait3A_498] : memref<20x128xi32, #tpu.memory_space<vmem>> -> memref<1x128xi32, #tpu.memory_space<vmem>>
    %dma_wait3A_500 = tpu.memref_squeeze %dma_wait3A_499 : memref<1x128xi32, #tpu.memory_space<vmem>> -> memref<128xi32, #tpu.memory_space<vmem>>
    %dma_wait3A_501 = arith.constant 0 : i32
    %dma_wait3A_502 = tpu.memref_slice %arg4[%dma_wait3A_501] : memref<81920000xf32, #tpu.memory_space<hbm>> -> memref<81920000xf32, #tpu.memory_space<hbm>>
    tpu.wait_indirect_dma semaphore(%arg11 : memref<!tpu.dma_semaphore, #tpu.memory_space<semaphore_mem>>) src(%arg9 : memref<128xf32, #tpu.memory_space<vmem>>) dst(%dma_wait3A_502 : memref<81920000xf32, #tpu.memory_space<hbm>>)
    %dma_wait3A_503 = arith.constant 0 : i32
    %dma_wait3A_504 = arith.constant 0 : i32
    %dma_wait3A_505 = tpu.memref_slice %arg8[%dma_wait3A_503, %dma_wait3A_504] : memref<20x128xi32, #tpu.memory_space<vmem>> -> memref<1x128xi32, #tpu.memory_space<vmem>>
    %dma_wait3A_506 = tpu.memref_squeeze %dma_wait3A_505 : memref<1x128xi32, #tpu.memory_space<vmem>> -> memref<128xi32, #tpu.memory_space<vmem>>
    %dma_wait3A_507 = arith.constant 0 : i32
    %dma_wait3A_508 = tpu.memref_slice %arg4[%dma_wait3A_507] : memref<81920000xf32, #tpu.memory_space<hbm>> -> memref<81920000xf32, #tpu.memory_space<hbm>>
    tpu.wait_indirect_dma semaphore(%arg11 : memref<!tpu.dma_semaphore, #tpu.memory_space<semaphore_mem>>) src(%arg9 : memref<128xf32, #tpu.memory_space<vmem>>) dst(%dma_wait3A_508 : memref<81920000xf32, #tpu.memory_space<hbm>>)
    %dma_wait3A_509 = arith.constant 0 : i32
    %dma_wait3A_510 = arith.constant 0 : i32
    %dma_wait3A_511 = tpu.memref_slice %arg8[%dma_wait3A_509, %dma_wait3A_510] : memref<20x128xi32, #tpu.memory_space<vmem>> -> memref<1x128xi32, #tpu.memory_space<vmem>>
    %dma_wait3A_512 = tpu.memref_squeeze %dma_wait3A_511 : memref<1x128xi32, #tpu.memory_space<vmem>> -> memref<128xi32, #tpu.memory_space<vmem>>
    %dma_wait3A_513 = arith.constant 0 : i32
    %dma_wait3A_514 = tpu.memref_slice %arg4[%dma_wait3A_513] : memref<81920000xf32, #tpu.memory_space<hbm>> -> memref<81920000xf32, #tpu.memory_space<hbm>>
    tpu.wait_indirect_dma semaphore(%arg11 : memref<!tpu.dma_semaphore, #tpu.memory_space<semaphore_mem>>) src(%arg9 : memref<128xf32, #tpu.memory_space<vmem>>) dst(%dma_wait3A_514 : memref<81920000xf32, #tpu.memory_space<hbm>>)
    %dma_wait3A_515 = arith.constant 0 : i32
    %dma_wait3A_516 = arith.constant 0 : i32
    %dma_wait3A_517 = tpu.memref_slice %arg8[%dma_wait3A_515, %dma_wait3A_516] : memref<20x128xi32, #tpu.memory_space<vmem>> -> memref<1x128xi32, #tpu.memory_space<vmem>>
    %dma_wait3A_518 = tpu.memref_squeeze %dma_wait3A_517 : memref<1x128xi32, #tpu.memory_space<vmem>> -> memref<128xi32, #tpu.memory_space<vmem>>
    %dma_wait3A_519 = arith.constant 0 : i32
    %dma_wait3A_520 = tpu.memref_slice %arg4[%dma_wait3A_519] : memref<81920000xf32, #tpu.memory_space<hbm>> -> memref<81920000xf32, #tpu.memory_space<hbm>>
    tpu.wait_indirect_dma semaphore(%arg11 : memref<!tpu.dma_semaphore, #tpu.memory_space<semaphore_mem>>) src(%arg9 : memref<128xf32, #tpu.memory_space<vmem>>) dst(%dma_wait3A_520 : memref<81920000xf32, #tpu.memory_space<hbm>>)
    %dma_wait3A_521 = arith.constant 0 : i32
    %dma_wait3A_522 = arith.constant 0 : i32
    %dma_wait3A_523 = tpu.memref_slice %arg8[%dma_wait3A_521, %dma_wait3A_522] : memref<20x128xi32, #tpu.memory_space<vmem>> -> memref<1x128xi32, #tpu.memory_space<vmem>>
    %dma_wait3A_524 = tpu.memref_squeeze %dma_wait3A_523 : memref<1x128xi32, #tpu.memory_space<vmem>> -> memref<128xi32, #tpu.memory_space<vmem>>
    %dma_wait3A_525 = arith.constant 0 : i32
    %dma_wait3A_526 = tpu.memref_slice %arg4[%dma_wait3A_525] : memref<81920000xf32, #tpu.memory_space<hbm>> -> memref<81920000xf32, #tpu.memory_space<hbm>>
    tpu.wait_indirect_dma semaphore(%arg11 : memref<!tpu.dma_semaphore, #tpu.memory_space<semaphore_mem>>) src(%arg9 : memref<128xf32, #tpu.memory_space<vmem>>) dst(%dma_wait3A_526 : memref<81920000xf32, #tpu.memory_space<hbm>>)
    %dma_wait3A_527 = arith.constant 0 : i32
    %dma_wait3A_528 = arith.constant 0 : i32
    %dma_wait3A_529 = tpu.memref_slice %arg8[%dma_wait3A_527, %dma_wait3A_528] : memref<20x128xi32, #tpu.memory_space<vmem>> -> memref<1x128xi32, #tpu.memory_space<vmem>>
    %dma_wait3A_530 = tpu.memref_squeeze %dma_wait3A_529 : memref<1x128xi32, #tpu.memory_space<vmem>> -> memref<128xi32, #tpu.memory_space<vmem>>
    %dma_wait3A_531 = arith.constant 0 : i32
    %dma_wait3A_532 = tpu.memref_slice %arg4[%dma_wait3A_531] : memref<81920000xf32, #tpu.memory_space<hbm>> -> memref<81920000xf32, #tpu.memory_space<hbm>>
    tpu.wait_indirect_dma semaphore(%arg11 : memref<!tpu.dma_semaphore, #tpu.memory_space<semaphore_mem>>) src(%arg9 : memref<128xf32, #tpu.memory_space<vmem>>) dst(%dma_wait3A_532 : memref<81920000xf32, #tpu.memory_space<hbm>>)
    %dma_wait3A_533 = arith.constant 0 : i32
    %dma_wait3A_534 = arith.constant 0 : i32
    %dma_wait3A_535 = tpu.memref_slice %arg8[%dma_wait3A_533, %dma_wait3A_534] : memref<20x128xi32, #tpu.memory_space<vmem>> -> memref<1x128xi32, #tpu.memory_space<vmem>>
    %dma_wait3A_536 = tpu.memref_squeeze %dma_wait3A_535 : memref<1x128xi32, #tpu.memory_space<vmem>> -> memref<128xi32, #tpu.memory_space<vmem>>
    %dma_wait3A_537 = arith.constant 0 : i32
    %dma_wait3A_538 = tpu.memref_slice %arg4[%dma_wait3A_537] : memref<81920000xf32, #tpu.memory_space<hbm>> -> memref<81920000xf32, #tpu.memory_space<hbm>>
    tpu.wait_indirect_dma semaphore(%arg11 : memref<!tpu.dma_semaphore, #tpu.memory_space<semaphore_mem>>) src(%arg9 : memref<128xf32, #tpu.memory_space<vmem>>) dst(%dma_wait3A_538 : memref<81920000xf32, #tpu.memory_space<hbm>>)
    %dma_wait3A_539 = arith.constant 0 : i32
    %dma_wait3A_540 = arith.constant 0 : i32
    %dma_wait3A_541 = tpu.memref_slice %arg8[%dma_wait3A_539, %dma_wait3A_540] : memref<20x128xi32, #tpu.memory_space<vmem>> -> memref<1x128xi32, #tpu.memory_space<vmem>>
    %dma_wait3A_542 = tpu.memref_squeeze %dma_wait3A_541 : memref<1x128xi32, #tpu.memory_space<vmem>> -> memref<128xi32, #tpu.memory_space<vmem>>
    %dma_wait3A_543 = arith.constant 0 : i32
    %dma_wait3A_544 = tpu.memref_slice %arg4[%dma_wait3A_543] : memref<81920000xf32, #tpu.memory_space<hbm>> -> memref<81920000xf32, #tpu.memory_space<hbm>>
    tpu.wait_indirect_dma semaphore(%arg11 : memref<!tpu.dma_semaphore, #tpu.memory_space<semaphore_mem>>) src(%arg9 : memref<128xf32, #tpu.memory_space<vmem>>) dst(%dma_wait3A_544 : memref<81920000xf32, #tpu.memory_space<hbm>>)
    %dma_wait3A_545 = arith.constant 0 : i32
    %dma_wait3A_546 = arith.constant 0 : i32
    %dma_wait3A_547 = tpu.memref_slice %arg8[%dma_wait3A_545, %dma_wait3A_546] : memref<20x128xi32, #tpu.memory_space<vmem>> -> memref<1x128xi32, #tpu.memory_space<vmem>>
    %dma_wait3A_548 = tpu.memref_squeeze %dma_wait3A_547 : memref<1x128xi32, #tpu.memory_space<vmem>> -> memref<128xi32, #tpu.memory_space<vmem>>
    %dma_wait3A_549 = arith.constant 0 : i32
    %dma_wait3A_550 = tpu.memref_slice %arg4[%dma_wait3A_549] : memref<81920000xf32, #tpu.memory_space<hbm>> -> memref<81920000xf32, #tpu.memory_space<hbm>>
    tpu.wait_indirect_dma semaphore(%arg11 : memref<!tpu.dma_semaphore, #tpu.memory_space<semaphore_mem>>) src(%arg9 : memref<128xf32, #tpu.memory_space<vmem>>) dst(%dma_wait3A_550 : memref<81920000xf32, #tpu.memory_space<hbm>>)
    %dma_wait3A_551 = arith.constant 0 : i32
    %dma_wait3A_552 = arith.constant 0 : i32
    %dma_wait3A_553 = tpu.memref_slice %arg8[%dma_wait3A_551, %dma_wait3A_552] : memref<20x128xi32, #tpu.memory_space<vmem>> -> memref<1x128xi32, #tpu.memory_space<vmem>>
    %dma_wait3A_554 = tpu.memref_squeeze %dma_wait3A_553 : memref<1x128xi32, #tpu.memory_space<vmem>> -> memref<128xi32, #tpu.memory_space<vmem>>
    %dma_wait3A_555 = arith.constant 0 : i32
    %dma_wait3A_556 = tpu.memref_slice %arg4[%dma_wait3A_555] : memref<81920000xf32, #tpu.memory_space<hbm>> -> memref<81920000xf32, #tpu.memory_space<hbm>>
    tpu.wait_indirect_dma semaphore(%arg11 : memref<!tpu.dma_semaphore, #tpu.memory_space<semaphore_mem>>) src(%arg9 : memref<128xf32, #tpu.memory_space<vmem>>) dst(%dma_wait3A_556 : memref<81920000xf32, #tpu.memory_space<hbm>>)
    %dma_wait3A_557 = arith.constant 0 : i32
    %dma_wait3A_558 = arith.constant 0 : i32
    %dma_wait3A_559 = tpu.memref_slice %arg8[%dma_wait3A_557, %dma_wait3A_558] : memref<20x128xi32, #tpu.memory_space<vmem>> -> memref<1x128xi32, #tpu.memory_space<vmem>>
    %dma_wait3A_560 = tpu.memref_squeeze %dma_wait3A_559 : memref<1x128xi32, #tpu.memory_space<vmem>> -> memref<128xi32, #tpu.memory_space<vmem>>
    %dma_wait3A_561 = arith.constant 0 : i32
    %dma_wait3A_562 = tpu.memref_slice %arg4[%dma_wait3A_561] : memref<81920000xf32, #tpu.memory_space<hbm>> -> memref<81920000xf32, #tpu.memory_space<hbm>>
    tpu.wait_indirect_dma semaphore(%arg11 : memref<!tpu.dma_semaphore, #tpu.memory_space<semaphore_mem>>) src(%arg9 : memref<128xf32, #tpu.memory_space<vmem>>) dst(%dma_wait3A_562 : memref<81920000xf32, #tpu.memory_space<hbm>>)
    %dma_wait3A_563 = arith.constant 0 : i32
    %dma_wait3A_564 = arith.constant 0 : i32
    %dma_wait3A_565 = tpu.memref_slice %arg8[%dma_wait3A_563, %dma_wait3A_564] : memref<20x128xi32, #tpu.memory_space<vmem>> -> memref<1x128xi32, #tpu.memory_space<vmem>>
    %dma_wait3A_566 = tpu.memref_squeeze %dma_wait3A_565 : memref<1x128xi32, #tpu.memory_space<vmem>> -> memref<128xi32, #tpu.memory_space<vmem>>
    %dma_wait3A_567 = arith.constant 0 : i32
    %dma_wait3A_568 = tpu.memref_slice %arg4[%dma_wait3A_567] : memref<81920000xf32, #tpu.memory_space<hbm>> -> memref<81920000xf32, #tpu.memory_space<hbm>>
    tpu.wait_indirect_dma semaphore(%arg11 : memref<!tpu.dma_semaphore, #tpu.memory_space<semaphore_mem>>) src(%arg9 : memref<128xf32, #tpu.memory_space<vmem>>) dst(%dma_wait3A_568 : memref<81920000xf32, #tpu.memory_space<hbm>>)
    %dma_wait3A_569 = arith.constant 0 : i32
    %dma_wait3A_570 = arith.constant 0 : i32
    %dma_wait3A_571 = tpu.memref_slice %arg8[%dma_wait3A_569, %dma_wait3A_570] : memref<20x128xi32, #tpu.memory_space<vmem>> -> memref<1x128xi32, #tpu.memory_space<vmem>>
    %dma_wait3A_572 = tpu.memref_squeeze %dma_wait3A_571 : memref<1x128xi32, #tpu.memory_space<vmem>> -> memref<128xi32, #tpu.memory_space<vmem>>
    %dma_wait3A_573 = arith.constant 0 : i32
    %dma_wait3A_574 = tpu.memref_slice %arg4[%dma_wait3A_573] : memref<81920000xf32, #tpu.memory_space<hbm>> -> memref<81920000xf32, #tpu.memory_space<hbm>>
    tpu.wait_indirect_dma semaphore(%arg11 : memref<!tpu.dma_semaphore, #tpu.memory_space<semaphore_mem>>) src(%arg9 : memref<128xf32, #tpu.memory_space<vmem>>) dst(%dma_wait3A_574 : memref<81920000xf32, #tpu.memory_space<hbm>>)
    %dma_wait3A_575 = arith.constant 0 : i32
    %dma_wait3A_576 = arith.constant 0 : i32
    %dma_wait3A_577 = tpu.memref_slice %arg8[%dma_wait3A_575, %dma_wait3A_576] : memref<20x128xi32, #tpu.memory_space<vmem>> -> memref<1x128xi32, #tpu.memory_space<vmem>>
    %dma_wait3A_578 = tpu.memref_squeeze %dma_wait3A_577 : memref<1x128xi32, #tpu.memory_space<vmem>> -> memref<128xi32, #tpu.memory_space<vmem>>
    %dma_wait3A_579 = arith.constant 0 : i32
    %dma_wait3A_580 = tpu.memref_slice %arg4[%dma_wait3A_579] : memref<81920000xf32, #tpu.memory_space<hbm>> -> memref<81920000xf32, #tpu.memory_space<hbm>>
    tpu.wait_indirect_dma semaphore(%arg11 : memref<!tpu.dma_semaphore, #tpu.memory_space<semaphore_mem>>) src(%arg9 : memref<128xf32, #tpu.memory_space<vmem>>) dst(%dma_wait3A_580 : memref<81920000xf32, #tpu.memory_space<hbm>>)
    %dma_wait3A_581 = arith.constant 0 : i32
    %dma_wait3A_582 = arith.constant 0 : i32
    %dma_wait3A_583 = tpu.memref_slice %arg8[%dma_wait3A_581, %dma_wait3A_582] : memref<20x128xi32, #tpu.memory_space<vmem>> -> memref<1x128xi32, #tpu.memory_space<vmem>>
    %dma_wait3A_584 = tpu.memref_squeeze %dma_wait3A_583 : memref<1x128xi32, #tpu.memory_space<vmem>> -> memref<128xi32, #tpu.memory_space<vmem>>
    %dma_wait3A_585 = arith.constant 0 : i32
    %dma_wait3A_586 = tpu.memref_slice %arg4[%dma_wait3A_585] : memref<81920000xf32, #tpu.memory_space<hbm>> -> memref<81920000xf32, #tpu.memory_space<hbm>>
    tpu.wait_indirect_dma semaphore(%arg11 : memref<!tpu.dma_semaphore, #tpu.memory_space<semaphore_mem>>) src(%arg9 : memref<128xf32, #tpu.memory_space<vmem>>) dst(%dma_wait3A_586 : memref<81920000xf32, #tpu.memory_space<hbm>>)
    %dma_wait3A_587 = arith.constant 0 : i32
    %dma_wait3A_588 = arith.constant 0 : i32
    %dma_wait3A_589 = tpu.memref_slice %arg8[%dma_wait3A_587, %dma_wait3A_588] : memref<20x128xi32, #tpu.memory_space<vmem>> -> memref<1x128xi32, #tpu.memory_space<vmem>>
    %dma_wait3A_590 = tpu.memref_squeeze %dma_wait3A_589 : memref<1x128xi32, #tpu.memory_space<vmem>> -> memref<128xi32, #tpu.memory_space<vmem>>
    %dma_wait3A_591 = arith.constant 0 : i32
    %dma_wait3A_592 = tpu.memref_slice %arg4[%dma_wait3A_591] : memref<81920000xf32, #tpu.memory_space<hbm>> -> memref<81920000xf32, #tpu.memory_space<hbm>>
    tpu.wait_indirect_dma semaphore(%arg11 : memref<!tpu.dma_semaphore, #tpu.memory_space<semaphore_mem>>) src(%arg9 : memref<128xf32, #tpu.memory_space<vmem>>) dst(%dma_wait3A_592 : memref<81920000xf32, #tpu.memory_space<hbm>>)
    %dma_wait3A_593 = arith.constant 0 : i32
    %dma_wait3A_594 = arith.constant 0 : i32
    %dma_wait3A_595 = tpu.memref_slice %arg8[%dma_wait3A_593, %dma_wait3A_594] : memref<20x128xi32, #tpu.memory_space<vmem>> -> memref<1x128xi32, #tpu.memory_space<vmem>>
    %dma_wait3A_596 = tpu.memref_squeeze %dma_wait3A_595 : memref<1x128xi32, #tpu.memory_space<vmem>> -> memref<128xi32, #tpu.memory_space<vmem>>
    %dma_wait3A_597 = arith.constant 0 : i32
    %dma_wait3A_598 = tpu.memref_slice %arg4[%dma_wait3A_597] : memref<81920000xf32, #tpu.memory_space<hbm>> -> memref<81920000xf32, #tpu.memory_space<hbm>>
    tpu.wait_indirect_dma semaphore(%arg11 : memref<!tpu.dma_semaphore, #tpu.memory_space<semaphore_mem>>) src(%arg9 : memref<128xf32, #tpu.memory_space<vmem>>) dst(%dma_wait3A_598 : memref<81920000xf32, #tpu.memory_space<hbm>>)
    return
  }
}

</mosaic_0001>

<sc_bundles>
// kernel: kernel.3.cloned.1.call-start
scs
__scs_entry_jumppad:
0x0: {  	(pc) =	sbr.rel $0x88, $3  }
0x1: {  	(tag) =	ssettag $0x0;
	lr =	simm.s32 $0x1  }
0x2: {  	[smem:$0x3FA0] =	sst lr;
	_ =	strace $0xD0000000  }
0x3: {  	_ = 	snop  }
0x4: {  	_ = 	snop  }
0x5: {  	_ = 	snop  }
0x6: {  	_ = 	snop  }
0x7: {  	_ = 	snop  }
__scs_overlays_trampoline_lowered:
0x8: {  	[smem:$0x3FAF] =	sst s0  }
0x9: {  	[smem:$0x3FB0] =	sst s1  }
0xa: {  	[smem:$0x3FB1] =	sst s2  }
0xb: {  	[smem:$0x3FB2] =	sst s3  }
0xc: {  	[smem:$0x3FB3] =	sst s4  }
0xd: {  	[smem:$0x3FB4] =	sst s5  }
0xe: {  	[smem:$0x3FB5] =	sst s6  }
0xf: {  	[smem:$0x3FB6] =	sst s7  }
0x10: {  	[smem:$0x3FB7] =	sst s8  }
0x11: {  	[smem:$0x3FB8] =	sst s9;
	s0 =	simm.s32 @!p0 $0x0  }
0x12: {  	s1 =	sld [smem:$0x3F9E];
	s0 =	simm.s32 @p0 $0x1  }
0x13: {  	[smem:$0x3FB9] =	sst s0;
	s0 =	simm.s32 @!p1 $0x0  }
0x14: {  	s2 =	sld [smem:$0x3F9D];
	s0 =	simm.s32 @p1 $0x1  }
0x15: {  	[smem:$0x3FBA] =	sst s0;
	s0 =	simm.s32 @!p2 $0x0  }
0x16: {  	s3 =	sld [smem:$0x3FDB];
	s0 =	simm.s32 @p2 $0x1  }
0x17: {  	s4 =	simm.s32 $0x1BF5;
	[smem:$0x3FBC] =	sst s0  }
0x18: {  	s0 =	sld [smem:$0x3F9F];
	_ =	swait.ge [sflag:s4], $0x0  }
0x19: {  	s7 =	sld [smem:$0x3FA0]  }
0x1a: {  	s8 =	sadd.s32 $0xFFFFE003, lr  }
0x1b: {  	s9 =	sadd.s32 $0xFFFFFEF7, lr;
	s5 =	simm.s32 $0xFFFFFFFF;
	p2 =	slt.u32 s8, $0xFFFFF086  }
0x1c: {  	p1 =	slt.u32 s9, $0xF7A;
	s5 =	simm.s32 @!p2 $0x0  }
0x1d: {  	s5 =	simm.s32 @p1 $0x1;
	p0 =	seq.s32 s7, s2  }
0x1e: {  	s7 =	smul.u32 @!p0 $0xF7A, s2;
	p2 =	seq.s32 @!p0 s5, $0x0  }
0x1f: {  	s9 =	smul.u32 $0xF7A, s1;
	s8 =	simm.s32 @!p0 $0x1BF5;
	p2 =	por !p2, p0  }
0x20: {  	[sflag:s8] =	ssyncset.s32 @!p0 $0xFFFFF086;
	s6 =	sadd.s32 @!p0 s3, s7;
	s7 =	simm.s32 @!p0 $0x108  }
0x21: {  	s3 =	sadd.s32 s3, s9;
	s6 =	sadd.s32 @!p0 $0x88, s6;
	s7 =	simm.s32 @p2 $0x1082  }
0x22: {  	[simem:s7], [sflag:s8] =	dma.local @!p0 [hbm:s6], $0xF7A  }
0x23: {  	s9 =	sor.u32 $0xD0000000, s2;
	s6 =	simm.s32 $0x108;
	_ =	swait.ge @!p0 [sflag:s8], $0x0  }
0x24: {  	s3 =	sadd.s32 $0x88, s3;
	s6 =	simm.s32 @!p1 $0x1082;
	[sflag:s4] =	ssyncset.s32 $0xFFFFF086  }
0x25: {  	[simem:s6], [sflag:s4] =	dma.local [hbm:s3], $0xF7A  }
0x26: {  	[smem:$0x3FA0] =	sst s1;
	(tag) =	ssettag s2;
	_ =	strace s9  }
0x27: {  	s1 =	sld [smem:$0x3FB0]  }
0x28: {  	s2 =	sld [smem:$0x3FB1]  }
0x29: {  	s4 =	sld [smem:$0x3FB3]  }
0x2a: {  	p0 =	seq.s32 s5, $0x0;
	s5 =	sld [smem:$0x3FB4]  }
0x2b: {  	s6 =	sld [smem:$0x3FB5]  }
0x2c: {  	s7 =	sld [smem:$0x3FB6]  }
0x2d: {  	s3 =	simm.s32 $0x108;
	s8 =	sld [smem:$0x3FB7]  }
0x2e: {  	s3 =	simm.s32 @!p0 $0x1082;
	s9 =	sld [smem:$0x3FB8]  }
0x2f: {  	lr =	sadd.s32 s0, s3;
	s0 =	sld [smem:$0x3FAF]  }
0x30: {  	s3 =	sld [smem:$0x3FB2]  }
0x31: {  	[smem:$0x3FBB] =	sst s10  }
0x32: {  	s10 =	sld [smem:$0x3FB9];
	_ =	sdelay $0x3  }
0x33: {  	p0 =	seq.s32 s10, $0x1;
	s10 =	sld [smem:$0x3FBB];
	_ =	sdelay $0x3  }
0x34: {  	[smem:$0x3FBB] =	sst s10  }
0x35: {  	s10 =	sld [smem:$0x3FBA];
	_ =	sdelay $0x3  }
0x36: {  	p1 =	seq.s32 s10, $0x1;
	s10 =	sld [smem:$0x3FBB];
	_ =	sdelay $0x3  }
0x37: {  	[smem:$0x3FBB] =	sst s10  }
0x38: {  	s10 =	sld [smem:$0x3FBC]  }
0x39: {  	_ = 	snop;
	(pc) =	sbr.ind lr, $3  }
0x3a: {  	_ = 	snop  }
0x3b: {  	_ = 	snop  }
0x3c: {  	p2 =	seq.s32 s10, $0x1;
	s10 =	sld [smem:$0x3FBB]  }
0x3d: {  	_ =	shalt  }
0x3e: {  	_ =	shalt  }
0x3f: {  	_ =	shalt  }
0x40: {  	_ =	shalt  }
0x41: {  	_ =	shalt  }
0x42: {  	_ =	shalt  }
0x43: {  	_ =	shalt  }
0x44: {  	_ =	shalt  }
0x45: {  	_ =	shalt  }
0x46: {  	_ =	shalt  }
0x47: {  	_ =	shalt  }
0x48: {  	_ =	shalt  }
0x49: {  	_ =	shalt  }
0x4a: {  	_ =	shalt  }
0x4b: {  	_ =	shalt  }
0x4c: {  	_ =	shalt  }
0x4d: {  	_ =	shalt  }
0x4e: {  	_ =	shalt  }
0x4f: {  	_ =	shalt  }
0x50: {  	_ =	shalt  }
0x51: {  	_ =	shalt  }
0x52: {  	_ =	shalt  }
0x53: {  	_ =	shalt  }
0x54: {  	_ =	shalt  }
0x55: {  	_ =	shalt  }
0x56: {  	_ =	shalt  }
0x57: {  	_ =	shalt  }
0x58: {  	_ =	shalt  }
0x59: {  	_ =	shalt  }
0x5a: {  	_ =	shalt  }
0x5b: {  	_ =	shalt  }
0x5c: {  	_ =	shalt  }
0x5d: {  	_ =	shalt  }
0x5e: {  	_ =	shalt  }
0x5f: {  	_ =	shalt  }
0x60: {  	_ =	shalt  }
0x61: {  	_ =	shalt  }
0x62: {  	_ =	shalt  }
0x63: {  	_ =	shalt  }
0x64: {  	_ =	shalt  }
0x65: {  	_ =	shalt  }
0x66: {  	_ =	shalt  }
0x67: {  	_ =	shalt  }
0x68: {  	_ =	shalt  }
0x69: {  	_ =	shalt  }
0x6a: {  	_ =	shalt  }
0x6b: {  	_ =	shalt  }
0x6c: {  	_ =	shalt  }
0x6d: {  	_ =	shalt  }
0x6e: {  	_ =	shalt  }
0x6f: {  	_ =	shalt  }
0x70: {  	_ =	shalt  }
0x71: {  	_ =	shalt  }
0x72: {  	_ =	shalt  }
0x73: {  	_ =	shalt  }
0x74: {  	_ =	shalt  }
0x75: {  	_ =	shalt  }
0x76: {  	_ =	shalt  }
0x77: {  	_ =	shalt  }
0x78: {  	_ =	shalt  }
0x79: {  	_ =	shalt  }
0x7a: {  	_ =	shalt  }
0x7b: {  	_ =	shalt  }
0x7c: {  	_ =	shalt  }
0x7d: {  	_ =	shalt  }
0x7e: {  	_ =	shalt  }
0x7f: {  	_ =	shalt  }
0x80: {  	_ =	shalt  }
0x81: {  	_ =	shalt  }
0x82: {  	_ =	shalt  }
0x83: {  	_ =	shalt  }
0x84: {  	_ =	shalt  }
0x85: {  	_ =	shalt  }
0x86: {  	_ =	shalt  }
0x87: {  	_ =	shalt  }
.Lfunc_end0:
.L_simem_size_0:
called_computation_lowered:
.L_overlay_start_0:
0x88: {  	s2 =	sld [smem:$0x3FD9]  }
0x89: {  	s3 =	sld [smem:$0x3FFE];
	_ =	sdelay $0x1  }
0x8a: {  	s1 =	srdreg.scid  }
0x8b: {  	s0 =	sand.u32 $0x1, s1  }
0x8c: {  	s17 =	sshll.u32 s0, $0xA;
	s2 =	sadd.s32 s3, s2  }
0x8d: {  	s2 =	sadd.s32 s2, s17  }
0x8e: {  	[smem:$0x3FC7] =	sst s2  }
0x8f: {  	_ = 	snop  }
0x90: {  	s2 =	sld [smem:$0x3FD0];
	(tm) =	ssettm $0x1  }
0x91: {  	s18 =	sld [smem:$0x3FFB];
	_ =	sdelay $0x3  }
0x92: {  	_ =	strace s18  }
0x93: {  	s3 =	sld [smem:$0x3FFC];
	_ =	sdelay $0x3  }
0x94: {  	_ =	strace s3  }
0x95: {  	s3 =	sld [smem:$0x3FFD];
	_ =	sdelay $0x3  }
0x96: {  	_ =	strace s3  }
0x97: {  	_ =	strace $0x8FFFFFFF  }
0x98: {  	s19 =	sld [smem:$0x3FDB];
	_ =	sdelay $0x1  }
0x99: {  	s4 =	simm.s32 $_scs_section_size  }
0x9a: {  	s5 =	simm.s32 $_size__tile_overlayer_lowered;
	s6 =	simm.s32 $_tile_overlayer_lowered  }
0x9b: {  	s22 =	simm.s32 $0x1BFF;
	s21 =	sshll.u32 s6, $0x1;
	s3 =	sadd.s32 s4, s19  }
0x9c: {  	s7 =	simm.s32 $0x0;
	s20 =	sshll.u32 s5, $0x1;
	s5 =	sadd.s32 s21, s3  }
0x9d: {  	[timem:s7], [sflag:s22] =	dma.local [hbm:s5], s20  }
0x9e: {  	_ =	swait.ge [sflag:s22], s20  }
0x9f: {  	s4 =	ssub.s32 $0x0, s20;
	[sflag:s22] =	ssyncset.done $0x0  }
0xa0: {  	[sflag:s22] =	ssyncadd.s32 s4;
	_ =	sdelay $0x1  }
0xa1: {  	s23 =	simm.s32 $0x1B8B  }
0xa2: {  	_ =	swait.ge [sflag:s23], $0x1  }
0xa3: {  	[sflag:s23] =	ssyncset.done $0x0  }
0xa4: {  	s25 =	simm.s32 $0x1B8E;
	s24 =	sld [smem:$0x3FFE];
	[sflag:s23] =	ssyncadd.s32 $0xFFFFFFFF  }
0xa5: {  	s26 =	simm.s32 $execute0_lowered;
	[smem:$0x3FD2] =	sst s25  }
0xa6: {  	s5 =	sshll.u32 s26, $0x1;
	_ =	strace $0x80000046;
	[dreg:$0x1] =	wrdreg $0xFFFFFFFF  }
0xa7: {  	s28 =	simm.s32 $_size_execute0_lowered;
	s3 =	sadd.s32 s3, s5;
	[dreg:$0x0] =	wrdreg $0x0  }
0xa8: {  	s5 =	sshll.u32 s28, $0x1;
	[dreg:$0x2] =	wrdreg s3  }
0xa9: {  	[dreg:$0x3] =	wrdreg s5  }
0xaa: {  	[dreg:$0x4] =	wrdreg $0xC0  }
0xab: {  	_ =	task [dreg:s7], $0x5FFFF  }
0xac: {  	[dreg:$0x1] =	wrdreg $0xFFFFFFFF  }
0xad: {  	[dreg:$0x0] =	wrdreg $0x60  }
0xae: {  	[dreg:$0x2] =	wrdreg s24  }
0xaf: {  	[dreg:$0x3] =	wrdreg s2  }
0xb0: {  	[dreg:$0x4] =	wrdreg $0x0  }
0xb1: {  	[dreg:$0x5] =	wrdreg $0x9  }
0xb2: {  	_ =	task.clear_ibuf [dreg:s7], $0x6FFFF;
	_ =	strace $0x90000046  }
0xb3: {  	s29 =	simm.s32 $0x9;
	_ =	strace $0x80000048  }
0xb4: {  	_ =	swait.ge [sflag:s29], $0x1  }
0xb5: {  	[sflag:s29] =	ssyncadd.s32 $0xFFFFFFFF  }
0xb6: {  	_ =	strace $0x90000048  }
0xb7: {  	_ =	sfence  }
0xb8: {  	s30 =	sld [smem:$0x0];
	_ =	sdelay $0x2  }
0xb9: {  	s31 =	sshll.u32 s1, $0xD;
	s1 =	sshrl.u32 s1, $0x2  }
0xba: {  	s3 =	sand.u32 $0x4000, s31;
	s1 =	sadd.s32 s1, s30  }
0xbb: {  	s0 =	sor.u32 s3, s0;
	s1 =	sshll.u32 s1, $0x11  }
0xbc: {  	s0 =	sor.u32 s1, s0  }
0xbd: {  	s0 =	sadd.s32 $0x8F2B, s0  }
0xbe: {  	[sflag:s0] =	ssyncadd.remote.s32 $0x1  }
0xbf: {  	_ =	sfence.sel $0xFFFF  }
0xc0: {  	[dreg:$0x0] =	wrdreg $0xFFFFFFFF;
	(pc) =	sbr.abs _section_cstart, $3  }
0xc1: {  	[dreg:$0x1] =	wrdreg $0xFFFFFFFF  }
0xc2: {  	_ =	task.clear_ibuf [dreg:s7], $0x2FFFF;
	_ =	strace $0x9FFFFFFF  }
0xc3: {  	(tm) =	ssettm $0x7FFFFFFF  }
tec
execute0_lowered:
.L_overlay_start_1:
0x0: {  	(tag) =	ssettag $0x1  }
0x1: {  	s0 =	rddreg [dreg:$0x0]  }
0x2: {  	s2 =	srdreg.scid;
	s11 =	stileid.u32  }
0x3: {  	s1 =	rddreg [dreg:$0x1];
	s2 =	sand.u32 $0x1, s2;
	s6 =	smul.u32 $0x271000, s11  }
0x4: {  	s4 =	simm.s32 $0x0;
	s3 =	sshll.u32 s2, $0x4;
	s5 =	smul.u32 $0x2710000, s2  }
0x5: {  	s7 =	ssub.s32 $0x2, s2;
	s2 =	smul.u32 $0xA, s2;
	s3 =	sor.u32 s11, s3  }
0x6: {  	[smem:$0x7FF] =	sst s4;
	s3 =	smul.u32 $0x140, s3;
	s5 =	sadd.s32 s6, s5  }
0x7: {  	_ =	strace $0x80000047;
	[dreg:$0x4] =	wrdreg s2;
	s5 =	sshrl.u32 s5, $0x3  }
0x8: {  	s3 =	sadd.s32 s3, s0;
	s0 =	sadd.s32 $0x2C00, s0;
	s6 =	sadd.s32 s1, s5  }
0x9: {  	[dreg:$0x5] =	wrdreg s0;
	s5 =	sadd.s32 $0x13880, s6  }
0xa: {  	s8 =	sadd.s32 $0x157C0, s6;
	[dreg:$0x6] =	wrdreg s5  }
0xb: {  	s9 =	sadd.s32 $0x17700, s6;
	[dreg:$0x7] =	wrdreg s8  }
0xc: {  	s10 =	sadd.s32 $0x19640, s6;
	[dreg:$0x8] =	wrdreg s9  }
0xd: {  	s12 =	sadd.s32 $0x1B580, s6;
	[dreg:$0x9] =	wrdreg s10  }
0xe: {  	s13 =	sadd.s32 $0x1D4C0, s6;
	[dreg:$0xa] =	wrdreg s12  }
0xf: {  	s14 =	sadd.s32 $0x1F400, s6;
	[dreg:$0xb] =	wrdreg s13  }
0x10: {  	s15 =	sadd.s32 $0x21340, s6;
	[dreg:$0xc] =	wrdreg s14  }
0x11: {  	s16 =	sadd.s32 $0x23280, s6;
	[dreg:$0xd] =	wrdreg s15  }
0x12: {  	p0 =	sne.s32 s11, $0x0;
	s17 =	sadd.s32 $0x251C0, s6;
	[dreg:$0xe] =	wrdreg s16  }
0x13: {  	s26 =	sshrl.u32 s7, $0x1;
	s18 =	sadd.s32 $0x27100, s6;
	[dreg:$0xf] =	wrdreg s17  }
0x14: {  	s11 =	sshll.u32 s11, $0x1;
	s19 =	sadd.s32 $0x29040, s6;
	[dreg:$0x10] =	wrdreg s18  }
0x15: {  	s7 =	ssub.s32 s7, s26;
	s20 =	sadd.s32 $0x2AF80, s6;
	[dreg:$0x11] =	wrdreg s19  }
0x16: {  	s21 =	sadd.s32 $0x2CEC0, s6;
	s22 =	sadd.s32 $0x2EE00, s6;
	[dreg:$0x12] =	wrdreg s20  }
0x17: {  	s23 =	sadd.s32 $0x30D40, s6;
	s24 =	sadd.s32 $0x32C80, s6;
	[dreg:$0x13] =	wrdreg s21  }
0x18: {  	s25 =	sadd.s32 $0x400, s3;
	s0 =	smax.u32 s7, $0x1;
	[dreg:$0x14] =	wrdreg s22  }
0x19: {  	s26 =	sadd.s32 $0x34BC0, s6;
	s28 =	sadd.s32 $0x36B00, s6;
	[dreg:$0x15] =	wrdreg s23  }
0x1a: {  	s29 =	sadd.s32 $0x38A40, s6;
	s30 =	sadd.s32 $0x3A980, s6;
	[dreg:$0x16] =	wrdreg s24  }
0x1b: {  	s31 =	sadd.s32 $0x3C8C0, s6;
	s3 =	sadd.s32 $0x40740, s6;
	[dreg:$0x17] =	wrdreg s25  }
0x1c: {  	s2 =	sadd.s32 $0x42680, s6;
	s7 =	sadd.s32 $0x46500, s6;
	[dreg:$0x18] =	wrdreg s0  }
0x1d: {  	[dreg:$0x19] =	wrdreg s26;
	s0 =	sadd.s32 $0x3E800, s6;
	s5 =	sadd.s32 $0x445C0, s6  }
0x1e: {  	s8 =	sadd.s32 $0x48440, s6;
	s9 =	sadd.s32 $0x4A380, s6;
	s10 =	sadd.s32 $0x4C2C0, s6  }
0x1f: {  	s12 =	simm.s32 $0x9C40;
	s13 =	simm.s32 $0x3;
	s14 =	simm.s32 $0x1  }
0x20: {  	v0 =	vimm.f32 $0.0e+00;
	v1 =	vimm.f32 $1.000000000e+00;
	v2 =	vlaneseq.u32;
	s15 =	simm.s32 $0x80;
	s16 =	simm.s32 $0x1AC40;
	s17 =	simm.s32 $0x2  }
.LBB2_1:
0x21: {  	s18 =	simm.s32 $0x40;
	s19 =	simm.s32 $0x0  }
.LBB2_2:
0x22: {  	p1 =	sne.s32 s18, $0x3E7C0;
	[tilespmem:s19+$0x9C40] =	vst v0;
	s19 =	smov.u32 s18;
	s18 =	sadd.s32 $0x40, s18  }
.Ltmp0:
0x23: {  	(pc) =	sbr.rel @p1 .LBB2_2-.Ltmp0, $2  }
0x24: {  	_ =	sdelay $0x2  }
0x25: {  	s19 =	sshra.s32 s19, $0x2  }
0x26: {  	s20 =	rddreg [dreg:$0x2]  }
0x27: {  	[tilespmem:s19+$0x9C40] =	vst v0;
	s19 =	simm.s32 @!p0 $0x1C03;
	s21 =	rddreg [dreg:$0x5];
	s18 =	sshrl.u32 @!p0 s20, $0x3  }
0x28: {  	[spmem:s18], [sflag:s19] =	dma.local @!p0 [hbm:s21], $0x13880  }
0x29: {  	s18 =	simm.s32 @!p0 $0x3  }
0x2a: {  	_ =	swait.ge @!p0 [sflag:s18], $0x13880  }
0x2b: {  	s25 =	stileid.u32;
	[sflag:s18] =	ssyncset.done @!p0 $0x0  }
0x2c: {  	[sflag:s18] =	ssyncadd.s32 @!p0 $0xFFFEC780;
	s18 =	sshll.u32 s25, $0x6  }
0x2d: {  	s26 =	sshrl.u32 s20, $0x3;
	[bflag:$0x0] =	sbarrier.arrive $0xFFFF;
	s18 =	sor.u32 $0x1C01, s18  }
0x2e: {  	[hbm:s6], [sflag:s18] =	dma.local [spmem:s26], $0x13880  }
0x2f: {  	s18 =	simm.s32 $0x0;
	s19 =	rddreg [dreg:$0x6]  }
0x30: {  	[hbm4b:s19+s18] =	stream.linear.scatter [tilespmem:s12], [sflag:$0x1], $0xFA00, $0x38;
	[tilespmem:$0x1ACC0] =	vst v63  }
0x31: {  	s20 =	rddreg [dreg:$0x7]  }
0x32: {  	[hbm4b:s20+s18] =	stream.linear.scatter [tilespmem:s12], [sflag:$0x1], $0xFA00, $0x38;
	[tilespmem:$0x1ACC0] =	vst v63  }
0x33: {  	s21 =	rddreg [dreg:$0x8]  }
0x34: {  	[hbm4b:s21+s18] =	stream.linear.scatter [tilespmem:s12], [sflag:$0x1], $0xFA00, $0x38;
	[tilespmem:$0x1ACC0] =	vst v63  }
0x35: {  	s22 =	rddreg [dreg:$0x9]  }
0x36: {  	[hbm4b:s22+s18] =	stream.linear.scatter [tilespmem:s12], [sflag:$0x1], $0xFA00, $0x38;
	[tilespmem:$0x1ACC0] =	vst v63  }
0x37: {  	s23 =	rddreg [dreg:$0xa]  }
0x38: {  	[hbm4b:s23+s18] =	stream.linear.scatter [tilespmem:s12], [sflag:$0x1], $0xFA00, $0x38;
	[tilespmem:$0x1ACC0] =	vst v63  }
0x39: {  	s24 =	rddreg [dreg:$0xb]  }
0x3a: {  	[hbm4b:s24+s18] =	stream.linear.scatter [tilespmem:s12], [sflag:$0x1], $0xFA00, $0x38;
	[tilespmem:$0x1ACC0] =	vst v63  }
0x3b: {  	s25 =	rddreg [dreg:$0xc]  }
0x3c: {  	[hbm4b:s25+s18] =	stream.linear.scatter [tilespmem:s12], [sflag:$0x1], $0xFA00, $0x38;
	[tilespmem:$0x1ACC0] =	vst v63  }
0x3d: {  	s26 =	rddreg [dreg:$0xd]  }
0x3e: {  	[hbm4b:s26+s18] =	stream.linear.scatter [tilespmem:s12], [sflag:$0x1], $0xFA00, $0x38;
	[tilespmem:$0x1ACC0] =	vst v63  }
0x3f: {  	s20 =	rddreg [dreg:$0xe]  }
0x40: {  	[hbm4b:s20+s18] =	stream.linear.scatter [tilespmem:s12], [sflag:$0x1], $0xFA00, $0x38;
	[tilespmem:$0x1ACC0] =	vst v63  }
0x41: {  	s21 =	rddreg [dreg:$0xf]  }
0x42: {  	[hbm4b:s21+s18] =	stream.linear.scatter [tilespmem:s12], [sflag:$0x1], $0xFA00, $0x38;
	[tilespmem:$0x1ACC0] =	vst v63  }
0x43: {  	s22 =	rddreg [dreg:$0x10]  }
0x44: {  	[hbm4b:s22+s18] =	stream.linear.scatter [tilespmem:s12], [sflag:$0x1], $0xFA00, $0x38;
	[tilespmem:$0x1ACC0] =	vst v63  }
0x45: {  	s23 =	rddreg [dreg:$0x11]  }
0x46: {  	[hbm4b:s23+s18] =	stream.linear.scatter [tilespmem:s12], [sflag:$0x1], $0xFA00, $0x38;
	[tilespmem:$0x1ACC0] =	vst v63  }
0x47: {  	s24 =	rddreg [dreg:$0x12]  }
0x48: {  	[hbm4b:s24+s18] =	stream.linear.scatter [tilespmem:s12], [sflag:$0x1], $0xFA00, $0x38;
	[tilespmem:$0x1ACC0] =	vst v63  }
0x49: {  	s25 =	rddreg [dreg:$0x13]  }
0x4a: {  	[hbm4b:s25+s18] =	stream.linear.scatter [tilespmem:s12], [sflag:$0x1], $0xFA00, $0x38;
	[tilespmem:$0x1ACC0] =	vst v63  }
0x4b: {  	s26 =	rddreg [dreg:$0x14]  }
0x4c: {  	[hbm4b:s26+s18] =	stream.linear.scatter [tilespmem:s12], [sflag:$0x1], $0xFA00, $0x38;
	[tilespmem:$0x1ACC0] =	vst v63  }
0x4d: {  	s20 =	rddreg [dreg:$0x15]  }
0x4e: {  	[hbm4b:s20+s18] =	stream.linear.scatter [tilespmem:s12], [sflag:$0x1], $0xFA00, $0x38;
	[tilespmem:$0x1ACC0] =	vst v63  }
0x4f: {  	s21 =	rddreg [dreg:$0x16]  }
0x50: {  	[hbm4b:s21+s18] =	stream.linear.scatter [tilespmem:s12], [sflag:$0x1], $0xFA00, $0x38;
	[tilespmem:$0x1ACC0] =	vst v63  }
0x51: {  	s22 =	rddreg [dreg:$0x19]  }
0x52: {  	[hbm4b:s22+s18] =	stream.linear.scatter [tilespmem:s12], [sflag:$0x1], $0xFA00, $0x38;
	[tilespmem:$0x1ACC0] =	vst v63  }
0x53: {  	_ = 	snop  }
0x54: {  	[hbm4b:s28+s18] =	stream.linear.scatter [tilespmem:s12], [sflag:$0x1], $0xFA00, $0x38;
	[tilespmem:$0x1ACC0] =	vst v63  }
0x55: {  	_ = 	snop  }
0x56: {  	[hbm4b:s29+s18] =	stream.linear.scatter [tilespmem:s12], [sflag:$0x1], $0xFA00, $0x38;
	[tilespmem:$0x1ACC0] =	vst v63  }
0x57: {  	_ = 	snop  }
0x58: {  	[hbm4b:s30+s18] =	stream.linear.scatter [tilespmem:s12], [sflag:$0x1], $0xFA00, $0x38;
	[tilespmem:$0x1ACC0] =	vst v63  }
0x59: {  	_ = 	snop  }
0x5a: {  	[hbm4b:s31+s18] =	stream.linear.scatter [tilespmem:s12], [sflag:$0x1], $0xFA00, $0x38;
	[tilespmem:$0x1ACC0] =	vst v63  }
0x5b: {  	_ = 	snop  }
0x5c: {  	[hbm4b:s0+s18] =	stream.linear.scatter [tilespmem:s12], [sflag:$0x1], $0xFA00, $0x38;
	[tilespmem:$0x1ACC0] =	vst v63  }
0x5d: {  	_ = 	snop  }
0x5e: {  	[hbm4b:s3+s18] =	stream.linear.scatter [tilespmem:s12], [sflag:$0x1], $0xFA00, $0x38;
	[tilespmem:$0x1ACC0] =	vst v63  }
0x5f: {  	_ = 	snop  }
0x60: {  	[hbm4b:s2+s18] =	stream.linear.scatter [tilespmem:s12], [sflag:$0x1], $0xFA00, $0x38;
	[tilespmem:$0x1ACC0] =	vst v63  }
0x61: {  	_ = 	snop  }
0x62: {  	[hbm4b:s5+s18] =	stream.linear.scatter [tilespmem:s12], [sflag:$0x1], $0xFA00, $0x38;
	[tilespmem:$0x1ACC0] =	vst v63  }
0x63: {  	_ = 	snop  }
0x64: {  	[hbm4b:s7+s18] =	stream.linear.scatter [tilespmem:s12], [sflag:$0x1], $0xFA00, $0x38;
	[tilespmem:$0x1ACC0] =	vst v63  }
0x65: {  	_ = 	snop  }
0x66: {  	[hbm4b:s8+s18] =	stream.linear.scatter [tilespmem:s12], [sflag:$0x1], $0xFA00, $0x38;
	[tilespmem:$0x1ACC0] =	vst v63  }
0x67: {  	_ = 	snop  }
0x68: {  	[hbm4b:s9+s18] =	stream.linear.scatter [tilespmem:s12], [sflag:$0x1], $0xFA00, $0x38;
	[tilespmem:$0x1ACC0] =	vst v63  }
0x69: {  	_ = 	snop  }
0x6a: {  	[hbm4b:s10+s18] =	stream.linear.scatter [tilespmem:s12], [sflag:$0x1], $0xFA00, $0x38;
	[tilespmem:$0x1ACC0] =	vst v63  }
0x6b: {  	s23 =	rddreg [dreg:$0x17];
	s24 =	simm.s32 $0x19640  }
0x6c: {  	[tilespmem:s24], [sflag:$0x3] =	stream.linear.gather [hbm4b:s23+s18], $0xA00, $0x38;
	[tilespmem:$0x1ACC0] =	vst v63  }
0x6d: {  	_ =	swait.ge [sflag:s13], $0xA00  }
0x6e: {  	[sflag:s13] =	ssyncset.done $0x0  }
0x6f: {  	[sflag:s13] =	ssyncadd.s32 $0xFFFFF600  }
0x70: {  	[tilespmem:$0x1AC40] =	vst v1  }
0x71: {  	[tilespmem:$0x1AC50] =	vst v1  }
0x72: {  	[tilespmem:$0x1AC60] =	vst v1  }
0x73: {  	[tilespmem:$0x1AC70] =	vst v1  }
0x74: {  	[tilespmem:$0x1AC80] =	vst v1  }
0x75: {  	[tilespmem:$0x1AC90] =	vst v1  }
0x76: {  	[tilespmem:$0x1ACA0] =	vst v1  }
0x77: {  	s20 =	simm.s32 $0x19680;
	[tilespmem:$0x1ACB0] =	vst v1  }
0x78: {  	v3 =	vld [tilespmem:s20+$0xFFFFFFC0];
	_ =	sdelay $0x1  }
0x79: {  	s25 =	rddreg [dreg:$0x4]  }
0x7a: {  	s18 =	sadd.s32 $0x0, s25  }
0x7b: {  	s26 =	sadd.s32 $0x0, s11;
	s19 =	smul.u32 $0x3E8000, s18  }
0x7c: {  	s21 =	sshll.u32 s26, $0xA;
	v4 =	vshll.u32 v3, $0xC  }
0x7d: {  	s18 =	sadd.s32 s19, s21;
	v3 =	vshll.u32 v3, $0x7;
	v4 =	vand.u32 $0xFFFF8000, v4  }
0x7e: {  	v3 =	vand.u32 $0x380, v3;
	v4 =	vadd.s32 s18, v4  }
0x7f: {  	v3 =	vor.u32 v3, v4  }
0x80: {  	s22 =	simm.s32 $0x0;
	s18 =	simm.s32 $0x1A080;
	v3 =	vor.u32 v2, v3  }
0x81: {  	s21 =	sand.u32 $0x7F, s22;
	[tilespmem:s18+$0xFFFFFFC0] =	vst v3  }
0x82: {  	s21 =	sadd.s32 $0x10, s21;
	v3 =	vld [tilespmem:s20+$0xFFFFFFD0]  }
0x83: {  	s21 =	sshll.u32 s21, $0x10  }
0x84: {  	s22 =	sadd.s32 $0x0, s11;
	s21 =	sshra.s32 s21, $0x17  }
0x85: {  	s21 =	sadd.s32 s21, s22  }
0x86: {  	s21 =	sshll.u32 s21, $0xA  }
0x87: {  	s21 =	sadd.s32 s19, s21;
	v4 =	vshll.u32 v3, $0xC  }
0x88: {  	s21 =	sor.u32 $0x10, s21;
	v3 =	vshll.u32 v3, $0x7;
	v4 =	vand.u32 $0xFFFF8000, v4  }
0x89: {  	v3 =	vand.u32 $0x380, v3;
	v4 =	vadd.s32 s21, v4  }
0x8a: {  	v3 =	vor.u32 v3, v4  }
0x8b: {  	s23 =	simm.s32 $0x0;
	v3 =	vor.u32 v2, v3  }
0x8c: {  	s21 =	sand.u32 $0x7F, s23;
	[tilespmem:s18+$0xFFFFFFD0] =	vst v3  }
0x8d: {  	s21 =	sadd.s32 $0x20, s21;
	v3 =	vld [tilespmem:s20+$0xFFFFFFE0]  }
0x8e: {  	s21 =	sshll.u32 s21, $0x10  }
0x8f: {  	s24 =	sadd.s32 $0x0, s11;
	s21 =	sshra.s32 s21, $0x17  }
0x90: {  	s21 =	sadd.s32 s21, s24  }
0x91: {  	s21 =	sshll.u32 s21, $0xA  }
0x92: {  	s21 =	sadd.s32 s19, s21;
	v4 =	vshll.u32 v3, $0xC  }
0x93: {  	s21 =	sor.u32 $0x20, s21;
	v3 =	vshll.u32 v3, $0x7;
	v4 =	vand.u32 $0xFFFF8000, v4  }
0x94: {  	v3 =	vand.u32 $0x380, v3;
	v4 =	vadd.s32 s21, v4  }
0x95: {  	v3 =	vor.u32 v3, v4  }
0x96: {  	s25 =	simm.s32 $0x0;
	v3 =	vor.u32 v2, v3  }
0x97: {  	s21 =	sand.u32 $0x7F, s25;
	[tilespmem:s18+$0xFFFFFFE0] =	vst v3  }
0x98: {  	s21 =	sadd.s32 $0x30, s21;
	v3 =	vld [tilespmem:s20+$0xFFFFFFF0]  }
0x99: {  	s21 =	sshll.u32 s21, $0x10  }
0x9a: {  	s26 =	sadd.s32 $0x0, s11;
	s21 =	sshra.s32 s21, $0x17  }
0x9b: {  	s21 =	sadd.s32 s21, s26  }
0x9c: {  	s21 =	sshll.u32 s21, $0xA  }
0x9d: {  	s21 =	sadd.s32 s19, s21;
	v4 =	vshll.u32 v3, $0xC  }
0x9e: {  	s21 =	sor.u32 $0x30, s21;
	v3 =	vshll.u32 v3, $0x7;
	v4 =	vand.u32 $0xFFFF8000, v4  }
0x9f: {  	v3 =	vand.u32 $0x380, v3;
	v4 =	vadd.s32 s21, v4  }
0xa0: {  	v3 =	vor.u32 v3, v4  }
0xa1: {  	s23 =	simm.s32 $0x0;
	v3 =	vor.u32 v2, v3  }
0xa2: {  	s21 =	sand.u32 $0x7F, s23;
	[tilespmem:s18+$0xFFFFFFF0] =	vst v3  }
0xa3: {  	s21 =	sadd.s32 $0x40, s21;
	v3 =	vld [tilespmem:s20+$0x0]  }
0xa4: {  	s21 =	sshll.u32 s21, $0x10  }
0xa5: {  	s24 =	sadd.s32 $0x0, s11;
	s21 =	sshra.s32 s21, $0x17  }
0xa6: {  	s21 =	sadd.s32 s21, s24  }
0xa7: {  	s21 =	sshll.u32 s21, $0xA  }
0xa8: {  	s21 =	sadd.s32 s19, s21;
	v4 =	vshll.u32 v3, $0xC  }
0xa9: {  	s21 =	sor.u32 $0x40, s21;
	v3 =	vshll.u32 v3, $0x7;
	v4 =	vand.u32 $0xFFFF8000, v4  }
0xaa: {  	v3 =	vand.u32 $0x380, v3;
	v4 =	vadd.s32 s21, v4  }
0xab: {  	v3 =	vor.u32 v3, v4  }
0xac: {  	s25 =	simm.s32 $0x0;
	v3 =	vor.u32 v2, v3  }
0xad: {  	s21 =	sand.u32 $0x7F, s25;
	[tilespmem:s18+$0x0] =	vst v3  }
0xae: {  	s21 =	sadd.s32 $0x50, s21;
	v3 =	vld [tilespmem:s20+$0x10]  }
0xaf: {  	s21 =	sshll.u32 s21, $0x10  }
0xb0: {  	s26 =	sadd.s32 $0x0, s11;
	s21 =	sshra.s32 s21, $0x17  }
0xb1: {  	s21 =	sadd.s32 s21, s26  }
0xb2: {  	s21 =	sshll.u32 s21, $0xA  }
0xb3: {  	s21 =	sadd.s32 s19, s21;
	v4 =	vshll.u32 v3, $0xC  }
0xb4: {  	s21 =	sor.u32 $0x50, s21;
	v3 =	vshll.u32 v3, $0x7;
	v4 =	vand.u32 $0xFFFF8000, v4  }
0xb5: {  	v3 =	vand.u32 $0x380, v3;
	v4 =	vadd.s32 s21, v4  }
0xb6: {  	v3 =	vor.u32 v3, v4  }
0xb7: {  	s22 =	simm.s32 $0x0;
	v3 =	vor.u32 v2, v3  }
0xb8: {  	s21 =	sand.u32 $0x7F, s22;
	[tilespmem:s18+$0x10] =	vst v3  }
0xb9: {  	s21 =	sadd.s32 $0x60, s21;
	v3 =	vld [tilespmem:s20+$0x20]  }
0xba: {  	s21 =	sshll.u32 s21, $0x10  }
0xbb: {  	s23 =	sadd.s32 $0x0, s11;
	s21 =	sshra.s32 s21, $0x17  }
0xbc: {  	s21 =	sadd.s32 s21, s23  }
0xbd: {  	s21 =	sshll.u32 s21, $0xA  }
0xbe: {  	s21 =	sadd.s32 s19, s21;
	v4 =	vshll.u32 v3, $0xC  }
0xbf: {  	s21 =	sor.u32 $0x60, s21;
	v3 =	vshll.u32 v3, $0x7;
	v4 =	vand.u32 $0xFFFF8000, v4  }
0xc0: {  	v3 =	vand.u32 $0x380, v3;
	v4 =	vadd.s32 s21, v4  }
0xc1: {  	v3 =	vor.u32 v3, v4  }
0xc2: {  	s24 =	simm.s32 $0x0;
	v3 =	vor.u32 v2, v3  }
0xc3: {  	s21 =	sand.u32 $0x7F, s24;
	[tilespmem:s18+$0x20] =	vst v3  }
0xc4: {  	s21 =	sadd.s32 $0x70, s21;
	v3 =	vld [tilespmem:s20+$0x30]  }
0xc5: {  	s25 =	sshll.u32 s21, $0x10  }
0xc6: {  	s26 =	sadd.s32 $0x0, s11;
	s20 =	sshra.s32 s25, $0x17  }
0xc7: {  	s20 =	sadd.s32 s20, s26  }
0xc8: {  	s20 =	sshll.u32 s20, $0xA  }
0xc9: {  	s19 =	sadd.s32 s19, s20;
	v4 =	vshll.u32 v3, $0xC  }
0xca: {  	s19 =	sor.u32 $0x70, s19;
	v3 =	vshll.u32 v3, $0x7;
	v4 =	vand.u32 $0xFFFF8000, v4  }
0xcb: {  	v3 =	vand.u32 $0x380, v3;
	v4 =	vadd.s32 s19, v4  }
0xcc: {  	v3 =	vor.u32 v3, v4  }
0xcd: {  	v3 =	vor.u32 v2, v3  }
0xce: {  	s22 =	simm.s32 $0x100;
	s23 =	simm.s32 $0x0;
	s19 =	simm.s32 $0x19700;
	[tilespmem:s18+$0x30] =	vst v3  }
0xcf: {  	s21 =	simm.s32 $0x1;
	s25 =	rddreg [dreg:$0x4];
	s20 =	simm.s32 $0x80;
	v3 =	vld [tilespmem:s19+$0xFFFFFFC0]  }
.LBB2_4:
0xd0: {  	s24 =	sshll.u32 s23, $0x8  }
0xd1: {  	s24 =	ssub.s32 s20, s24  }
0xd2: {  	s25 =	sadd.s32 s25, s23;
	s26 =	sshrl.u32 s24, $0x7  }
0xd3: {  	s23 =	smul.u32 $0x3E8000, s25;
	s26 =	sadd.s32 s11, s26  }
0xd4: {  	s25 =	sshll.u32 s26, $0xA;
	v4 =	vshll.u32 v3, $0xC  }
0xd5: {  	v3 =	vshll.u32 v3, $0x7;
	s25 =	sadd.s32 s23, s25;
	v4 =	vand.u32 $0xFFFF8000, v4  }
0xd6: {  	v3 =	vand.u32 $0x380, v3;
	v4 =	vadd.s32 s25, v4;
	s25 =	sadd.s32 $0x10, s24  }
0xd7: {  	v3 =	vor.u32 v3, v4;
	s26 =	sshll.u32 s25, $0x10  }
0xd8: {  	s18 =	sadd.s32 $0x80, s18;
	v3 =	vor.u32 v2, v3;
	s26 =	sshra.s32 s26, $0x1F  }
0xd9: {  	[tilespmem:s18+$0xFFFFFFC0] =	vst v3;
	s26 =	sand.u32 $0x7F, s26  }
0xda: {  	s26 =	sadd.s32 s26, s25;
	v3 =	vld [tilespmem:s19+$0xFFFFFFD0]  }
0xdb: {  	s25 =	sshra.s32 s25, $0x1F;
	s26 =	sshll.u32 s26, $0x10  }
0xdc: {  	s25 =	sadd.s32 s11, s25;
	s26 =	sshra.s32 s26, $0x17  }
0xdd: {  	s25 =	sadd.s32 s26, s25  }
0xde: {  	s25 =	sshll.u32 s25, $0xA  }
0xdf: {  	s25 =	sadd.s32 s23, s25;
	v4 =	vshll.u32 v3, $0xC  }
0xe0: {  	v3 =	vshll.u32 v3, $0x7;
	s25 =	sor.u32 $0x10, s25;
	v4 =	vand.u32 $0xFFFF8000, v4  }
0xe1: {  	v3 =	vand.u32 $0x380, v3;
	v4 =	vadd.s32 s25, v4;
	s25 =	sadd.s32 $0x20, s24  }
0xe2: {  	v3 =	vor.u32 v3, v4;
	s26 =	sshll.u32 s25, $0x10  }
0xe3: {  	v3 =	vor.u32 v2, v3;
	s26 =	sshra.s32 s26, $0x1F  }
0xe4: {  	[tilespmem:s18+$0xFFFFFFD0] =	vst v3;
	s26 =	sand.u32 $0x7F, s26  }
0xe5: {  	s26 =	sadd.s32 s26, s25;
	v3 =	vld [tilespmem:s19+$0xFFFFFFE0]  }
0xe6: {  	s25 =	sshra.s32 s25, $0x1F;
	s26 =	sshll.u32 s26, $0x10  }
0xe7: {  	s25 =	sadd.s32 s11, s25;
	s26 =	sshra.s32 s26, $0x17  }
0xe8: {  	s25 =	sadd.s32 s26, s25  }
0xe9: {  	s25 =	sshll.u32 s25, $0xA  }
0xea: {  	s25 =	sadd.s32 s23, s25;
	v4 =	vshll.u32 v3, $0xC  }
0xeb: {  	v3 =	vshll.u32 v3, $0x7;
	s25 =	sor.u32 $0x20, s25;
	v4 =	vand.u32 $0xFFFF8000, v4  }
0xec: {  	v3 =	vand.u32 $0x380, v3;
	v4 =	vadd.s32 s25, v4;
	s25 =	sadd.s32 $0x30, s24  }
0xed: {  	v3 =	vor.u32 v3, v4;
	s26 =	sshll.u32 s25, $0x10  }
0xee: {  	v3 =	vor.u32 v2, v3;
	s26 =	sshra.s32 s26, $0x1F  }
0xef: {  	[tilespmem:s18+$0xFFFFFFE0] =	vst v3;
	s26 =	sand.u32 $0x7F, s26  }
0xf0: {  	s26 =	sadd.s32 s26, s25;
	v3 =	vld [tilespmem:s19+$0xFFFFFFF0]  }
0xf1: {  	s25 =	sshra.s32 s25, $0x1F;
	s26 =	sshll.u32 s26, $0x10  }
0xf2: {  	s25 =	sadd.s32 s11, s25;
	s26 =	sshra.s32 s26, $0x17  }
0xf3: {  	s25 =	sadd.s32 s26, s25  }
0xf4: {  	s25 =	sshll.u32 s25, $0xA  }
0xf5: {  	s25 =	sadd.s32 s23, s25;
	v4 =	vshll.u32 v3, $0xC  }
0xf6: {  	v3 =	vshll.u32 v3, $0x7;
	s25 =	sor.u32 $0x30, s25;
	v4 =	vand.u32 $0xFFFF8000, v4  }
0xf7: {  	v3 =	vand.u32 $0x380, v3;
	v4 =	vadd.s32 s25, v4;
	s25 =	sadd.s32 $0x40, s24  }
0xf8: {  	v3 =	vor.u32 v3, v4;
	s26 =	sshll.u32 s25, $0x10  }
0xf9: {  	v3 =	vor.u32 v2, v3;
	s26 =	sshra.s32 s26, $0x1F  }
0xfa: {  	[tilespmem:s18+$0xFFFFFFF0] =	vst v3;
	s26 =	sand.u32 $0x7F, s26  }
0xfb: {  	s26 =	sadd.s32 s26, s25;
	v3 =	vld [tilespmem:s19+$0x0]  }
0xfc: {  	s25 =	sshra.s32 s25, $0x1F;
	s26 =	sshll.u32 s26, $0x10  }
0xfd: {  	s25 =	sadd.s32 s11, s25;
	s26 =	sshra.s32 s26, $0x17  }
0xfe: {  	s25 =	sadd.s32 s26, s25  }
0xff: {  	s25 =	sshll.u32 s25, $0xA  }
0x100: {  	s25 =	sadd.s32 s23, s25;
	v4 =	vshll.u32 v3, $0xC  }
0x101: {  	v3 =	vshll.u32 v3, $0x7;
	s25 =	sor.u32 $0x40, s25;
	v4 =	vand.u32 $0xFFFF8000, v4  }
0x102: {  	v3 =	vand.u32 $0x380, v3;
	v4 =	vadd.s32 s25, v4;
	s25 =	sadd.s32 $0x50, s24  }
0x103: {  	v3 =	vor.u32 v3, v4;
	s26 =	sshll.u32 s25, $0x10  }
0x104: {  	v3 =	vor.u32 v2, v3;
	s26 =	sshra.s32 s26, $0x1F  }
0x105: {  	[tilespmem:s18+$0x0] =	vst v3;
	s26 =	sand.u32 $0x7F, s26  }
0x106: {  	s26 =	sadd.s32 s26, s25;
	v3 =	vld [tilespmem:s19+$0x10]  }
0x107: {  	s25 =	sshra.s32 s25, $0x1F;
	s26 =	sshll.u32 s26, $0x10  }
0x108: {  	s25 =	sadd.s32 s11, s25;
	s26 =	sshra.s32 s26, $0x17  }
0x109: {  	s25 =	sadd.s32 s26, s25  }
0x10a: {  	s25 =	sshll.u32 s25, $0xA  }
0x10b: {  	s25 =	sadd.s32 s23, s25;
	v4 =	vshll.u32 v3, $0xC  }
0x10c: {  	v3 =	vshll.u32 v3, $0x7;
	s25 =	sor.u32 $0x50, s25;
	v4 =	vand.u32 $0xFFFF8000, v4  }
0x10d: {  	v3 =	vand.u32 $0x380, v3;
	v4 =	vadd.s32 s25, v4;
	s25 =	sadd.s32 $0x60, s24  }
0x10e: {  	v3 =	vor.u32 v3, v4;
	s26 =	sshll.u32 s25, $0x10  }
0x10f: {  	v3 =	vor.u32 v2, v3;
	s26 =	sshra.s32 s26, $0x1F  }
0x110: {  	[tilespmem:s18+$0x10] =	vst v3;
	s26 =	sand.u32 $0x7F, s26  }
0x111: {  	s26 =	sadd.s32 s26, s25;
	v3 =	vld [tilespmem:s19+$0x20]  }
0x112: {  	s25 =	sshra.s32 s25, $0x1F;
	s26 =	sshll.u32 s26, $0x10  }
0x113: {  	s25 =	sadd.s32 s11, s25;
	s26 =	sshra.s32 s26, $0x17  }
0x114: {  	s25 =	sadd.s32 s26, s25  }
0x115: {  	s25 =	sshll.u32 s25, $0xA  }
0x116: {  	s25 =	sadd.s32 s23, s25;
	v4 =	vshll.u32 v3, $0xC  }
0x117: {  	v3 =	vshll.u32 v3, $0x7;
	s25 =	sor.u32 $0x60, s25;
	v4 =	vand.u32 $0xFFFF8000, v4  }
0x118: {  	s24 =	sadd.s32 $0x70, s24;
	v3 =	vand.u32 $0x380, v3;
	v4 =	vadd.s32 s25, v4  }
0x119: {  	s26 =	sshll.u32 s24, $0x10;
	v3 =	vor.u32 v3, v4  }
0x11a: {  	s25 =	sshra.s32 s26, $0x1F;
	v3 =	vor.u32 v2, v3  }
0x11b: {  	s25 =	sand.u32 $0x7F, s25;
	[tilespmem:s18+$0x20] =	vst v3  }
0x11c: {  	s25 =	sadd.s32 s25, s24;
	v3 =	vld [tilespmem:s19+$0x30]  }
0x11d: {  	s24 =	sshra.s32 s24, $0x1F;
	s25 =	sshll.u32 s25, $0x10  }
0x11e: {  	s24 =	sadd.s32 s11, s24;
	s25 =	sshra.s32 s25, $0x17  }
0x11f: {  	s24 =	sadd.s32 s25, s24  }
0x120: {  	s24 =	sshll.u32 s24, $0xA  }
0x121: {  	s23 =	sadd.s32 s23, s24;
	v4 =	vshll.u32 v3, $0xC  }
0x122: {  	p1 =	sne.s32 s22, $0x980;
	s23 =	sor.u32 $0x70, s23;
	v3 =	vshll.u32 v3, $0x7;
	v4 =	vand.u32 $0xFFFF8000, v4  }
.Ltmp1:
0x123: {  	v3 =	vand.u32 $0x380, v3;
	v4 =	vadd.s32 s23, v4;
	(pc) =	sbr.rel @p1 .LBB2_4-.Ltmp1, $4  }
0x124: {  	v3 =	vor.u32 v3, v4  }
0x125: {  	v3 =	vor.u32 v2, v3  }
0x126: {  	s21 =	sadd.s32 $0x1, s21;
	s20 =	smov.u32 s22;
	s19 =	sadd.s32 $0x80, s19;
	[tilespmem:s18+$0x30] =	vst v3  }
0x127: {  	s22 =	sadd.s32 $0x80, s22;
	s25 =	rddreg [dreg:$0x4];
	s23 =	sshrl.u32 s21, $0x1;
	v3 =	vld [tilespmem:s19+$0xFFFFFFC0]  }
0x128: {  	s21 =	sshll.u32 s23, $0x8  }
0x129: {  	s21 =	ssub.s32 s20, s21  }
0x12a: {  	s22 =	sadd.s32 s25, s23;
	s20 =	sshrl.u32 s21, $0x7  }
0x12b: {  	s26 =	sadd.s32 s11, s20;
	s20 =	smul.u32 $0x3E8000, s22  }
0x12c: {  	s24 =	sshll.u32 s26, $0xA;
	v4 =	vshll.u32 v3, $0xC  }
0x12d: {  	v3 =	vshll.u32 v3, $0x7;
	s22 =	sadd.s32 s20, s24;
	v4 =	vand.u32 $0xFFFF8000, v4  }
0x12e: {  	s25 =	sadd.s32 $0x10, s21;
	v3 =	vand.u32 $0x380, v3;
	v4 =	vadd.s32 s22, v4  }
0x12f: {  	s26 =	sshll.u32 s25, $0x10;
	v3 =	vor.u32 v3, v4  }
0x130: {  	s18 =	sadd.s32 $0x80, s18;
	s23 =	sshra.s32 s26, $0x1F;
	v3 =	vor.u32 v2, v3  }
0x131: {  	s23 =	sand.u32 $0x7F, s23;
	[tilespmem:s18+$0xFFFFFFC0] =	vst v3  }
0x132: {  	s23 =	sadd.s32 s23, s25;
	v3 =	vld [tilespmem:s19+$0xFFFFFFD0]  }
0x133: {  	s22 =	sshra.s32 s25, $0x1F;
	s23 =	sshll.u32 s23, $0x10  }
0x134: {  	s22 =	sadd.s32 s11, s22;
	s23 =	sshra.s32 s23, $0x17  }
0x135: {  	s22 =	sadd.s32 s23, s22  }
0x136: {  	s22 =	sshll.u32 s22, $0xA  }
0x137: {  	s22 =	sadd.s32 s20, s22;
	v57 =	vshll.u32 v3, $0xC  }
0x138: {  	s22 =	sor.u32 $0x10, s22;
	v3 =	vshll.u32 v3, $0x7;
	v4 =	vand.u32 $0xFFFF8000, v57  }
0x139: {  	s24 =	sadd.s32 $0x20, s21;
	v3 =	vand.u32 $0x380, v3;
	v4 =	vadd.s32 s22, v4  }
0x13a: {  	s25 =	sshll.u32 s24, $0x10;
	v3 =	vor.u32 v3, v4  }
0x13b: {  	s23 =	sshra.s32 s25, $0x1F;
	v3 =	vor.u32 v2, v3  }
0x13c: {  	s23 =	sand.u32 $0x7F, s23;
	[tilespmem:s18+$0xFFFFFFD0] =	vst v3  }
0x13d: {  	s23 =	sadd.s32 s23, s24;
	v3 =	vld [tilespmem:s19+$0xFFFFFFE0]  }
0x13e: {  	s23 =	sshll.u32 s23, $0x10;
	s22 =	sshra.s32 s24, $0x1F  }
0x13f: {  	s23 =	sshra.s32 s23, $0x17;
	s22 =	sadd.s32 s11, s22  }
0x140: {  	s22 =	sadd.s32 s23, s22  }
0x141: {  	s22 =	sshll.u32 s22, $0xA  }
0x142: {  	s22 =	sadd.s32 s20, s22;
	v58 =	vshll.u32 v3, $0xC  }
0x143: {  	s22 =	sor.u32 $0x20, s22;
	v3 =	vshll.u32 v3, $0x7;
	v4 =	vand.u32 $0xFFFF8000, v58  }
0x144: {  	s26 =	sadd.s32 $0x30, s21;
	v3 =	vand.u32 $0x380, v3;
	v4 =	vadd.s32 s22, v4  }
0x145: {  	s24 =	sshll.u32 s26, $0x10;
	v3 =	vor.u32 v3, v4  }
0x146: {  	s23 =	sshra.s32 s24, $0x1F;
	v3 =	vor.u32 v2, v3  }
0x147: {  	s23 =	sand.u32 $0x7F, s23;
	[tilespmem:s18+$0xFFFFFFE0] =	vst v3  }
0x148: {  	s23 =	sadd.s32 s23, s26;
	v3 =	vld [tilespmem:s19+$0xFFFFFFF0]  }
0x149: {  	s23 =	sshll.u32 s23, $0x10;
	s22 =	sshra.s32 s26, $0x1F  }
0x14a: {  	s23 =	sshra.s32 s23, $0x17;
	s22 =	sadd.s32 s11, s22  }
0x14b: {  	s22 =	sadd.s32 s23, s22  }
0x14c: {  	s22 =	sshll.u32 s22, $0xA  }
0x14d: {  	s22 =	sadd.s32 s20, s22;
	v59 =	vshll.u32 v3, $0xC  }
0x14e: {  	s22 =	sor.u32 $0x30, s22;
	v3 =	vshll.u32 v3, $0x7;
	v4 =	vand.u32 $0xFFFF8000, v59  }
0x14f: {  	s25 =	sadd.s32 $0x40, s21;
	v3 =	vand.u32 $0x380, v3;
	v4 =	vadd.s32 s22, v4  }
0x150: {  	s26 =	sshll.u32 s25, $0x10;
	v3 =	vor.u32 v3, v4  }
0x151: {  	s23 =	sshra.s32 s26, $0x1F;
	v3 =	vor.u32 v2, v3  }
0x152: {  	s23 =	sand.u32 $0x7F, s23;
	[tilespmem:s18+$0xFFFFFFF0] =	vst v3  }
0x153: {  	s23 =	sadd.s32 s23, s25;
	v3 =	vld [tilespmem:s19+$0x0]  }
0x154: {  	s23 =	sshll.u32 s23, $0x10;
	s22 =	sshra.s32 s25, $0x1F  }
0x155: {  	s23 =	sshra.s32 s23, $0x17;
	s22 =	sadd.s32 s11, s22  }
0x156: {  	s22 =	sadd.s32 s23, s22  }
0x157: {  	s22 =	sshll.u32 s22, $0xA  }
0x158: {  	s22 =	sadd.s32 s20, s22;
	v60 =	vshll.u32 v3, $0xC  }
0x159: {  	s22 =	sor.u32 $0x40, s22;
	v3 =	vshll.u32 v3, $0x7;
	v4 =	vand.u32 $0xFFFF8000, v60  }
0x15a: {  	s24 =	sadd.s32 $0x50, s21;
	v3 =	vand.u32 $0x380, v3;
	v4 =	vadd.s32 s22, v4  }
0x15b: {  	s25 =	sshll.u32 s24, $0x10;
	v3 =	vor.u32 v3, v4  }
0x15c: {  	s23 =	sshra.s32 s25, $0x1F;
	v3 =	vor.u32 v2, v3  }
0x15d: {  	s23 =	sand.u32 $0x7F, s23;
	[tilespmem:s18+$0x0] =	vst v3  }
0x15e: {  	s23 =	sadd.s32 s23, s24;
	v3 =	vld [tilespmem:s19+$0x10]  }
0x15f: {  	s23 =	sshll.u32 s23, $0x10;
	s22 =	sshra.s32 s24, $0x1F  }
0x160: {  	s23 =	sshra.s32 s23, $0x17;
	s22 =	sadd.s32 s11, s22  }
0x161: {  	s22 =	sadd.s32 s23, s22  }
0x162: {  	s22 =	sshll.u32 s22, $0xA  }
0x163: {  	s22 =	sadd.s32 s20, s22;
	v61 =	vshll.u32 v3, $0xC  }
0x164: {  	s22 =	sor.u32 $0x50, s22;
	v3 =	vshll.u32 v3, $0x7;
	v4 =	vand.u32 $0xFFFF8000, v61  }
0x165: {  	s26 =	sadd.s32 $0x60, s21;
	v3 =	vand.u32 $0x380, v3;
	v4 =	vadd.s32 s22, v4  }
0x166: {  	s24 =	sshll.u32 s26, $0x10;
	v3 =	vor.u32 v3, v4  }
0x167: {  	s23 =	sshra.s32 s24, $0x1F;
	v3 =	vor.u32 v2, v3  }
0x168: {  	s23 =	sand.u32 $0x7F, s23;
	[tilespmem:s18+$0x10] =	vst v3  }
0x169: {  	s23 =	sadd.s32 s23, s26;
	v3 =	vld [tilespmem:s19+$0x20]  }
0x16a: {  	s23 =	sshll.u32 s23, $0x10;
	s22 =	sshra.s32 s26, $0x1F  }
0x16b: {  	s23 =	sshra.s32 s23, $0x17;
	s22 =	sadd.s32 s11, s22  }
0x16c: {  	s22 =	sadd.s32 s23, s22  }
0x16d: {  	s22 =	sshll.u32 s22, $0xA  }
0x16e: {  	s22 =	sadd.s32 s20, s22;
	v62 =	vshll.u32 v3, $0xC  }
0x16f: {  	s22 =	sor.u32 $0x60, s22;
	v3 =	vshll.u32 v3, $0x7;
	v4 =	vand.u32 $0xFFFF8000, v62  }
0x170: {  	s21 =	sadd.s32 $0x70, s21;
	v3 =	vand.u32 $0x380, v3;
	v4 =	vadd.s32 s22, v4  }
0x171: {  	s25 =	sshll.u32 s21, $0x10;
	v3 =	vor.u32 v3, v4  }
0x172: {  	s22 =	sshra.s32 s25, $0x1F;
	v3 =	vor.u32 v2, v3  }
0x173: {  	s22 =	sand.u32 $0x7F, s22;
	[tilespmem:s18+$0x20] =	vst v3  }
0x174: {  	s26 =	sadd.s32 s22, s21;
	v3 =	vld [tilespmem:s19+$0x30]  }
0x175: {  	s21 =	sshra.s32 s21, $0x1F;
	s19 =	sshll.u32 s26, $0x10  }
0x176: {  	s21 =	sadd.s32 s11, s21;
	s19 =	sshra.s32 s19, $0x17  }
0x177: {  	s19 =	sadd.s32 s19, s21  }
0x178: {  	s19 =	sshll.u32 s19, $0xA  }
0x179: {  	s19 =	sadd.s32 s20, s19;
	v63 =	vshll.u32 v3, $0xC  }
0x17a: {  	s19 =	sor.u32 $0x70, s19;
	v3 =	vshll.u32 v3, $0x7;
	v4 =	vand.u32 $0xFFFF8000, v63  }
0x17b: {  	v3 =	vand.u32 $0x380, v3;
	v4 =	vadd.s32 s19, v4  }
0x17c: {  	v3 =	vor.u32 v3, v4  }
0x17d: {  	v3 =	vor.u32 v2, v3  }
0x17e: {  	[tilespmem:s18+$0x30] =	vst v3  }
0x17f: {  	_ =	swait.ge [sflag:s14], $0x13880  }
0x180: {  	[sflag:s14] =	ssyncset.done $0x0  }
0x181: {  	[sflag:s14] =	ssyncadd.s32 $0xFFFEC780  }
0x182: {  	_ =	swait.ge [sflag:s14], $0xFA00  }
0x183: {  	[sflag:s14] =	ssyncset.done $0x0  }
0x184: {  	[sflag:s14] =	ssyncadd.s32 $0xFFFF0600  }
0x185: {  	_ =	swait.ge [sflag:s14], $0xFA00  }
0x186: {  	[sflag:s14] =	ssyncset.done $0x0  }
0x187: {  	[sflag:s14] =	ssyncadd.s32 $0xFFFF0600  }
0x188: {  	_ =	swait.ge [sflag:s14], $0xFA00  }
0x189: {  	[sflag:s14] =	ssyncset.done $0x0  }
0x18a: {  	[sflag:s14] =	ssyncadd.s32 $0xFFFF0600  }
0x18b: {  	_ =	swait.ge [sflag:s14], $0xFA00  }
0x18c: {  	[sflag:s14] =	ssyncset.done $0x0  }
0x18d: {  	[sflag:s14] =	ssyncadd.s32 $0xFFFF0600  }
0x18e: {  	_ =	swait.ge [sflag:s14], $0xFA00  }
0x18f: {  	[sflag:s14] =	ssyncset.done $0x0  }
0x190: {  	[sflag:s14] =	ssyncadd.s32 $0xFFFF0600  }
0x191: {  	_ =	swait.ge [sflag:s14], $0xFA00  }
0x192: {  	[sflag:s14] =	ssyncset.done $0x0  }
0x193: {  	[sflag:s14] =	ssyncadd.s32 $0xFFFF0600  }
0x194: {  	_ =	swait.ge [sflag:s14], $0xFA00  }
0x195: {  	[sflag:s14] =	ssyncset.done $0x0  }
0x196: {  	[sflag:s14] =	ssyncadd.s32 $0xFFFF0600  }
0x197: {  	_ =	swait.ge [sflag:s14], $0xFA00  }
0x198: {  	[sflag:s14] =	ssyncset.done $0x0  }
0x199: {  	[sflag:s14] =	ssyncadd.s32 $0xFFFF0600  }
0x19a: {  	_ =	swait.ge [sflag:s14], $0xFA00  }
0x19b: {  	[sflag:s14] =	ssyncset.done $0x0  }
0x19c: {  	[sflag:s14] =	ssyncadd.s32 $0xFFFF0600  }
0x19d: {  	_ =	swait.ge [sflag:s14], $0xFA00  }
0x19e: {  	[sflag:s14] =	ssyncset.done $0x0  }
0x19f: {  	[sflag:s14] =	ssyncadd.s32 $0xFFFF0600  }
0x1a0: {  	_ =	swait.ge [sflag:s14], $0xFA00  }
0x1a1: {  	[sflag:s14] =	ssyncset.done $0x0  }
0x1a2: {  	[sflag:s14] =	ssyncadd.s32 $0xFFFF0600  }
0x1a3: {  	_ =	swait.ge [sflag:s14], $0xFA00  }
0x1a4: {  	[sflag:s14] =	ssyncset.done $0x0  }
0x1a5: {  	[sflag:s14] =	ssyncadd.s32 $0xFFFF0600  }
0x1a6: {  	_ =	swait.ge [sflag:s14], $0xFA00  }
0x1a7: {  	[sflag:s14] =	ssyncset.done $0x0  }
0x1a8: {  	[sflag:s14] =	ssyncadd.s32 $0xFFFF0600  }
0x1a9: {  	_ =	swait.ge [sflag:s14], $0xFA00  }
0x1aa: {  	[sflag:s14] =	ssyncset.done $0x0  }
0x1ab: {  	[sflag:s14] =	ssyncadd.s32 $0xFFFF0600  }
0x1ac: {  	_ =	swait.ge [sflag:s14], $0xFA00  }
0x1ad: {  	[sflag:s14] =	ssyncset.done $0x0  }
0x1ae: {  	[sflag:s14] =	ssyncadd.s32 $0xFFFF0600  }
0x1af: {  	_ =	swait.ge [sflag:s14], $0xFA00  }
0x1b0: {  	[sflag:s14] =	ssyncset.done $0x0  }
0x1b1: {  	[sflag:s14] =	ssyncadd.s32 $0xFFFF0600  }
0x1b2: {  	_ =	swait.ge [sflag:s14], $0xFA00  }
0x1b3: {  	[sflag:s14] =	ssyncset.done $0x0  }
0x1b4: {  	[sflag:s14] =	ssyncadd.s32 $0xFFFF0600  }
0x1b5: {  	_ =	swait.ge [sflag:s14], $0xFA00  }
0x1b6: {  	[sflag:s14] =	ssyncset.done $0x0  }
0x1b7: {  	[sflag:s14] =	ssyncadd.s32 $0xFFFF0600  }
0x1b8: {  	_ =	swait.ge [sflag:s14], $0xFA00  }
0x1b9: {  	[sflag:s14] =	ssyncset.done $0x0  }
0x1ba: {  	[sflag:s14] =	ssyncadd.s32 $0xFFFF0600  }
0x1bb: {  	_ =	swait.ge [sflag:s14], $0xFA00  }
0x1bc: {  	[sflag:s14] =	ssyncset.done $0x0  }
0x1bd: {  	[sflag:s14] =	ssyncadd.s32 $0xFFFF0600  }
0x1be: {  	_ =	swait.ge [sflag:s14], $0xFA00  }
0x1bf: {  	[sflag:s14] =	ssyncset.done $0x0  }
0x1c0: {  	[sflag:s14] =	ssyncadd.s32 $0xFFFF0600  }
0x1c1: {  	_ =	swait.ge [sflag:s14], $0xFA00  }
0x1c2: {  	[sflag:s14] =	ssyncset.done $0x0  }
0x1c3: {  	[sflag:s14] =	ssyncadd.s32 $0xFFFF0600  }
0x1c4: {  	_ =	swait.ge [sflag:s14], $0xFA00  }
0x1c5: {  	[sflag:s14] =	ssyncset.done $0x0  }
0x1c6: {  	[sflag:s14] =	ssyncadd.s32 $0xFFFF0600  }
0x1c7: {  	_ =	swait.ge [sflag:s14], $0xFA00  }
0x1c8: {  	[sflag:s14] =	ssyncset.done $0x0  }
0x1c9: {  	[sflag:s14] =	ssyncadd.s32 $0xFFFF0600  }
0x1ca: {  	_ =	swait.ge [sflag:s14], $0xFA00  }
0x1cb: {  	[sflag:s14] =	ssyncset.done $0x0  }
0x1cc: {  	[sflag:s14] =	ssyncadd.s32 $0xFFFF0600  }
0x1cd: {  	_ =	swait.ge [sflag:s14], $0xFA00  }
0x1ce: {  	[sflag:s14] =	ssyncset.done $0x0  }
0x1cf: {  	[sflag:s14] =	ssyncadd.s32 $0xFFFF0600  }
0x1d0: {  	_ =	swait.ge [sflag:s14], $0xFA00  }
0x1d1: {  	[sflag:s14] =	ssyncset.done $0x0  }
0x1d2: {  	[sflag:s14] =	ssyncadd.s32 $0xFFFF0600  }
0x1d3: {  	_ =	swait.ge [sflag:s14], $0xFA00  }
0x1d4: {  	[sflag:s14] =	ssyncset.done $0x0  }
0x1d5: {  	[sflag:s14] =	ssyncadd.s32 $0xFFFF0600  }
0x1d6: {  	_ =	swait.ge [sflag:s14], $0xFA00  }
0x1d7: {  	[sflag:s14] =	ssyncset.done $0x0  }
0x1d8: {  	[sflag:s14] =	ssyncadd.s32 $0xFFFF0600  }
0x1d9: {  	_ =	swait.ge [sflag:s14], $0xFA00  }
0x1da: {  	[sflag:s14] =	ssyncset.done $0x0  }
0x1db: {  	[sflag:s14] =	ssyncadd.s32 $0xFFFF0600  }
0x1dc: {  	s22 =	simm.s32 $0x1A040;
	[bflag:$0x0] =	sbarrier.arrive $0xFFFF  }
0x1dd: {  	[hbm4b:s1+s15] =	stream.indirect.scatter [tilespmem:s16], [sflag:$0x2], $0x1, s22, s15, $0xb8;
	[tilespmem:$0x1ACC0] =	vst v63  }
0x1de: {  	s23 =	simm.s32 $0x1A0C0  }
0x1df: {  	[hbm4b:s1+s15] =	stream.indirect.scatter [tilespmem:s16], [sflag:$0x2], $0x1, s23, s15, $0xb8;
	[tilespmem:$0x1ACC0] =	vst v63  }
0x1e0: {  	s24 =	simm.s32 $0x1A140  }
0x1e1: {  	[hbm4b:s1+s15] =	stream.indirect.scatter [tilespmem:s16], [sflag:$0x2], $0x1, s24, s15, $0xb8;
	[tilespmem:$0x1ACC0] =	vst v63  }
0x1e2: {  	s25 =	simm.s32 $0x1A1C0  }
0x1e3: {  	[hbm4b:s1+s15] =	stream.indirect.scatter [tilespmem:s16], [sflag:$0x2], $0x1, s25, s15, $0xb8;
	[tilespmem:$0x1ACC0] =	vst v63  }
0x1e4: {  	s26 =	simm.s32 $0x1A240  }
0x1e5: {  	[hbm4b:s1+s15] =	stream.indirect.scatter [tilespmem:s16], [sflag:$0x2], $0x1, s26, s15, $0xb8;
	[tilespmem:$0x1ACC0] =	vst v63  }
0x1e6: {  	s19 =	simm.s32 $0x1A2C0  }
0x1e7: {  	[hbm4b:s1+s15] =	stream.indirect.scatter [tilespmem:s16], [sflag:$0x2], $0x1, s19, s15, $0xb8;
	[tilespmem:$0x1ACC0] =	vst v63  }
0x1e8: {  	s20 =	simm.s32 $0x1A340  }
0x1e9: {  	[hbm4b:s1+s15] =	stream.indirect.scatter [tilespmem:s16], [sflag:$0x2], $0x1, s20, s15, $0xb8;
	[tilespmem:$0x1ACC0] =	vst v63  }
0x1ea: {  	s21 =	simm.s32 $0x1A3C0  }
0x1eb: {  	[hbm4b:s1+s15] =	stream.indirect.scatter [tilespmem:s16], [sflag:$0x2], $0x1, s21, s15, $0xb8;
	[tilespmem:$0x1ACC0] =	vst v63  }
0x1ec: {  	s22 =	simm.s32 $0x1A440  }
0x1ed: {  	[hbm4b:s1+s15] =	stream.indirect.scatter [tilespmem:s16], [sflag:$0x2], $0x1, s22, s15, $0xb8;
	[tilespmem:$0x1ACC0] =	vst v63  }
0x1ee: {  	s23 =	simm.s32 $0x1A4C0  }
0x1ef: {  	[hbm4b:s1+s15] =	stream.indirect.scatter [tilespmem:s16], [sflag:$0x2], $0x1, s23, s15, $0xb8;
	[tilespmem:$0x1ACC0] =	vst v63  }
0x1f0: {  	s24 =	simm.s32 $0x1A540  }
0x1f1: {  	[hbm4b:s1+s15] =	stream.indirect.scatter [tilespmem:s16], [sflag:$0x2], $0x1, s24, s15, $0xb8;
	[tilespmem:$0x1ACC0] =	vst v63  }
0x1f2: {  	s25 =	simm.s32 $0x1A5C0  }
0x1f3: {  	[hbm4b:s1+s15] =	stream.indirect.scatter [tilespmem:s16], [sflag:$0x2], $0x1, s25, s15, $0xb8;
	[tilespmem:$0x1ACC0] =	vst v63  }
0x1f4: {  	s26 =	simm.s32 $0x1A640  }
0x1f5: {  	[hbm4b:s1+s15] =	stream.indirect.scatter [tilespmem:s16], [sflag:$0x2], $0x1, s26, s15, $0xb8;
	[tilespmem:$0x1ACC0] =	vst v63  }
0x1f6: {  	s19 =	simm.s32 $0x1A6C0  }
0x1f7: {  	[hbm4b:s1+s15] =	stream.indirect.scatter [tilespmem:s16], [sflag:$0x2], $0x1, s19, s15, $0xb8;
	[tilespmem:$0x1ACC0] =	vst v63  }
0x1f8: {  	s20 =	simm.s32 $0x1A740  }
0x1f9: {  	[hbm4b:s1+s15] =	stream.indirect.scatter [tilespmem:s16], [sflag:$0x2], $0x1, s20, s15, $0xb8;
	[tilespmem:$0x1ACC0] =	vst v63  }
0x1fa: {  	s21 =	simm.s32 $0x1A7C0  }
0x1fb: {  	[hbm4b:s1+s15] =	stream.indirect.scatter [tilespmem:s16], [sflag:$0x2], $0x1, s21, s15, $0xb8;
	[tilespmem:$0x1ACC0] =	vst v63  }
0x1fc: {  	s22 =	simm.s32 $0x1A840  }
0x1fd: {  	[hbm4b:s1+s15] =	stream.indirect.scatter [tilespmem:s16], [sflag:$0x2], $0x1, s22, s15, $0xb8;
	[tilespmem:$0x1ACC0] =	vst v63  }
0x1fe: {  	s23 =	simm.s32 $0x1A8C0  }
0x1ff: {  	[hbm4b:s1+s15] =	stream.indirect.scatter [tilespmem:s16], [sflag:$0x2], $0x1, s23, s15, $0xb8;
	[tilespmem:$0x1ACC0] =	vst v63  }
0x200: {  	s24 =	simm.s32 $0x1A940  }
0x201: {  	[hbm4b:s1+s15] =	stream.indirect.scatter [tilespmem:s16], [sflag:$0x2], $0x1, s24, s15, $0xb8;
	[tilespmem:$0x1ACC0] =	vst v63  }
0x202: {  	s25 =	simm.s32 $0x1A9C0  }
0x203: {  	[hbm4b:s1+s15] =	stream.indirect.scatter [tilespmem:s16], [sflag:$0x2], $0x1, s25, s15, $0xb8;
	[tilespmem:$0x1ACC0] =	vst v63  }
0x204: {  	_ =	swait.ge [sflag:s17], $0x80  }
0x205: {  	[sflag:s17] =	ssyncset.done $0x0  }
0x206: {  	[sflag:s17] =	ssyncadd.s32 $0xFFFFFF80  }
0x207: {  	_ =	swait.ge [sflag:s17], $0x80  }
0x208: {  	[sflag:s17] =	ssyncset.done $0x0  }
0x209: {  	[sflag:s17] =	ssyncadd.s32 $0xFFFFFF80  }
0x20a: {  	_ =	swait.ge [sflag:s17], $0x80  }
0x20b: {  	[sflag:s17] =	ssyncset.done $0x0  }
0x20c: {  	[sflag:s17] =	ssyncadd.s32 $0xFFFFFF80  }
0x20d: {  	_ =	swait.ge [sflag:s17], $0x80  }
0x20e: {  	[sflag:s17] =	ssyncset.done $0x0  }
0x20f: {  	[sflag:s17] =	ssyncadd.s32 $0xFFFFFF80  }
0x210: {  	_ =	swait.ge [sflag:s17], $0x80  }
0x211: {  	[sflag:s17] =	ssyncset.done $0x0  }
0x212: {  	[sflag:s17] =	ssyncadd.s32 $0xFFFFFF80  }
0x213: {  	_ =	swait.ge [sflag:s17], $0x80  }
0x214: {  	[sflag:s17] =	ssyncset.done $0x0  }
0x215: {  	[sflag:s17] =	ssyncadd.s32 $0xFFFFFF80  }
0x216: {  	_ =	swait.ge [sflag:s17], $0x80  }
0x217: {  	[sflag:s17] =	ssyncset.done $0x0  }
0x218: {  	[sflag:s17] =	ssyncadd.s32 $0xFFFFFF80  }
0x219: {  	_ =	swait.ge [sflag:s17], $0x80  }
0x21a: {  	[sflag:s17] =	ssyncset.done $0x0  }
0x21b: {  	[sflag:s17] =	ssyncadd.s32 $0xFFFFFF80  }
0x21c: {  	_ =	swait.ge [sflag:s17], $0x80  }
0x21d: {  	[sflag:s17] =	ssyncset.done $0x0  }
0x21e: {  	[sflag:s17] =	ssyncadd.s32 $0xFFFFFF80  }
0x21f: {  	_ =	swait.ge [sflag:s17], $0x80  }
0x220: {  	[sflag:s17] =	ssyncset.done $0x0  }
0x221: {  	[sflag:s17] =	ssyncadd.s32 $0xFFFFFF80  }
0x222: {  	_ =	swait.ge [sflag:s17], $0x80  }
0x223: {  	[sflag:s17] =	ssyncset.done $0x0  }
0x224: {  	[sflag:s17] =	ssyncadd.s32 $0xFFFFFF80  }
0x225: {  	_ =	swait.ge [sflag:s17], $0x80  }
0x226: {  	[sflag:s17] =	ssyncset.done $0x0  }
0x227: {  	[sflag:s17] =	ssyncadd.s32 $0xFFFFFF80  }
0x228: {  	_ =	swait.ge [sflag:s17], $0x80  }
0x229: {  	[sflag:s17] =	ssyncset.done $0x0  }
0x22a: {  	[sflag:s17] =	ssyncadd.s32 $0xFFFFFF80  }
0x22b: {  	_ =	swait.ge [sflag:s17], $0x80  }
0x22c: {  	[sflag:s17] =	ssyncset.done $0x0  }
0x22d: {  	[sflag:s17] =	ssyncadd.s32 $0xFFFFFF80  }
0x22e: {  	_ =	swait.ge [sflag:s17], $0x80  }
0x22f: {  	[sflag:s17] =	ssyncset.done $0x0  }
0x230: {  	[sflag:s17] =	ssyncadd.s32 $0xFFFFFF80  }
0x231: {  	_ =	swait.ge [sflag:s17], $0x80  }
0x232: {  	[sflag:s17] =	ssyncset.done $0x0  }
0x233: {  	[sflag:s17] =	ssyncadd.s32 $0xFFFFFF80  }
0x234: {  	_ =	swait.ge [sflag:s17], $0x80  }
0x235: {  	[sflag:s17] =	ssyncset.done $0x0  }
0x236: {  	[sflag:s17] =	ssyncadd.s32 $0xFFFFFF80  }
0x237: {  	_ =	swait.ge [sflag:s17], $0x80  }
0x238: {  	[sflag:s17] =	ssyncset.done $0x0  }
0x239: {  	[sflag:s17] =	ssyncadd.s32 $0xFFFFFF80  }
0x23a: {  	_ =	swait.ge [sflag:s17], $0x80  }
0x23b: {  	[sflag:s17] =	ssyncset.done $0x0  }
0x23c: {  	[sflag:s17] =	ssyncadd.s32 $0xFFFFFF80  }
0x23d: {  	_ =	swait.ge [sflag:s17], $0x80  }
0x23e: {  	s4 =	sadd.s32 $0x1, s4;
	s26 =	rddreg [dreg:$0x18]  }
0x23f: {  	p1 =	sne.s32 s4, s26  }
.Ltmp2:
0x240: {  	_ = 	snop;
	(pc) =	sbr.rel @p1 .LBB2_1-.Ltmp2, $3  }
0x241: {  	_ =	sdelay $0x1  }
0x242: {  	[sflag:s17] =	ssyncset.done $0x0  }
0x243: {  	[sflag:s17] =	ssyncadd.s32 $0xFFFFFF80  }
0x244: {  	_ =	sfence.sel $0x180000  }
0x245: {  	[bflag:$0x0] =	sbarrier.arrive $0xFFFF  }
0x246: {  	_ =	strace $0x90000047  }
0x247: {  	[bflag:$0x2] =	sbarrier.arrive $0xFFFF  }
0x248: {  	s0 =	rddreg [dreg:$0x3]  }
0x249: {  	s0 =	sadd.s32 @!p0 $0x100000, s0  }
0x24a: {  	[sflag:s0] =	ssyncadd.tile.s32 @!p0 $0x1;
	_ =	shalt  }
.Lfunc_end2:
_tile_overlayer_lowered:
.L_overlay_start_2:
0x24b: {  	(tag) =	ssettag $0x2  }
0x24c: {  	s0 =	rddreg [dreg:$0x0];
	s2 =	stileid.u32  }
0x24d: {  	s1 =	rddreg [dreg:$0x1];
	p0 =	sne.s32 s2, $0x0  }
0x24e: {  	s3 =	rddreg [dreg:$0x2];
	[bflag:$0x3] =	sbarrier.arrive $0xFFFF;
	s2 =	simm.s32 @!p0 $0x1C03  }
0x24f: {  	[timem:s3], [sflag:s2] =	dma.local @!p0 [hbm:s0], s1  }
0x250: {  	s0 =	simm.s32 @!p0 $0x3  }
0x251: {  	_ =	swait.ge @!p0 [sflag:s0], s1  }
0x252: {  	s1 =	ssub.s32 @!p0 $0x0, s1;
	[sflag:s0] =	ssyncset.done @!p0 $0x0  }
0x253: {  	[sflag:s0] =	ssyncadd.s32 @!p0 s1  }
0x254: {  	[bflag:$0x3] =	sbarrier.arrive $0xFFFF  }
0x255: {  	_ =	shalt  }

</sc_bundles>
